<compile_context>
chip_gen: v7x
topology: tpu7x:2x2x1
jax: 0.10.2.dev20260603
libtpu: 0.0.44.dev20260713+nightly
codegen_flags: <defaults>
</compile_context>

<pallas_src>
import jax
import jax.numpy as jnp
from jax import lax
from jax.experimental import pallas as pl
from jax.experimental.pallas import tpu as pltpu
from jax.experimental.pallas import tpu_sc as plsc

NUM_EMBED = 100000
EMBED_DIM = 128
COL_DIM = 32
BATCH = 16384

NC = 2
NS = 16
NW = NC * NS
B_PER_W = BATCH // NW
SIZES = (128, 128, 128, 96, 32)
OFFS = (0, 128, 256, 384, 480)
NCHUNK = len(SIZES)
DEPTH = 2


def _body(table_hbm, idx_hbm, se_hbm, out_hbm, idx_v, rows_v, se_v,
          gsem, osem):
    c = lax.axis_index("c")
    s = lax.axis_index("s")
    wid = s * NC + c
    base = wid * B_PER_W

    def fire(j):
        return pltpu.async_copy(
            table_hbm.at[idx_v.at[pl.ds(OFFS[j], SIZES[j])]],
            rows_v.at[pl.ds(OFFS[j], SIZES[j])], gsem.at[j])

    pltpu.sync_copy(idx_hbm.at[pl.ds(base, SIZES[0])],
                    idx_v.at[pl.ds(0, SIZES[0])])
    gathers = [fire(0)]
    pltpu.sync_copy(idx_hbm.at[pl.ds(base + SIZES[0], B_PER_W - SIZES[0])],
                    idx_v.at[pl.ds(SIZES[0], B_PER_W - SIZES[0])])
    for j in range(1, DEPTH):
        gathers.append(fire(j))

    pltpu.sync_copy(se_hbm, se_v)
    s0 = se_v[0, pl.ds(0, 16)]
    s1 = se_v[0, pl.ds(16, 16)]

    writes = []
    for j in range(NCHUNK):
        gathers[j].wait()
        if j + DEPTH < NCHUNK:
            gathers.append(fire(j + DEPTH))

        def overwrite(i, carry, j=j):
            for k in range(8):
                r = OFFS[j] + i * 8 + k
                rows_v[r, pl.ds(0, 16)] = s0
                rows_v[r, pl.ds(16, 16)] = s1
            return carry

        lax.fori_loop(0, SIZES[j] // 8, overwrite, 0)
        writes.append(pltpu.async_copy(
            rows_v.at[pl.ds(OFFS[j], SIZES[j])],
            out_hbm.at[pl.ds(base + OFFS[j], SIZES[j])], osem))
    for w in writes:
        w.wait()


@jax.jit
def _run(idx, table, se):
    mesh = plsc.VectorSubcoreMesh(core_axis_name="c", subcore_axis_name="s")
    fn = pl.kernel(
        _body,
        mesh=mesh,
        out_type=jax.ShapeDtypeStruct((BATCH, EMBED_DIM), jnp.float32),
        scratch_types=[
            pltpu.VMEM((B_PER_W,), jnp.int32),
            pltpu.VMEM((B_PER_W, EMBED_DIM), jnp.float32),
            pltpu.VMEM((1, COL_DIM), jnp.float32),
            pltpu.SemaphoreType.DMA((NCHUNK,)),
            pltpu.SemaphoreType.DMA,
        ],
    )
    return fn(table, idx, se)


def kernel(X, embed_weight, shared_embed):
    return _run(X.astype(jnp.int32), embed_weight, shared_embed)

# --- scband reference (transcript-rebuilt; emitter-appended) ---
"""Pipeline reference for scband-shared-embeddings-1675037245857 (READ-ONLY COPY).

The authoritative reference and input builder live on the scoring server;
editing this copy changes nothing except your own understanding.
"""

import jax, jax.numpy as jnp
import numpy as np

NUM_EMBED = 100000
EMBED_DIM = 128
FRAC_SHARED = 0.25
COL_EMBED_DIM = int(EMBED_DIM * FRAC_SHARED)  # 32 (add_shared_embed=False)
BATCH = 16384


def setup_inputs(seed: int = 0) -> dict:
    key = jax.random.key(seed)
    k1, k2, k3 = jax.random.split(key, 3)
    X = jax.random.randint(k1, (BATCH,), 0, NUM_EMBED, dtype=jnp.int64)
    # nn.Embedding default init ~ N(0,1), then clamped to [-2, 2]; padding_idx=0 row is zero
    embed_weight = jax.random.normal(k2, (NUM_EMBED, EMBED_DIM), dtype=jnp.float32)
    embed_weight = jnp.clip(embed_weight, -2.0, 2.0)
    embed_weight = embed_weight.at[0].set(0.0)  # padding_idx=0
    shared_embed = jax.random.uniform(k3, (1, COL_EMBED_DIM), dtype=jnp.float32, minval=-1.0, maxval=1.0)
    return {"X": X, "embed_weight": embed_weight, "shared_embed": shared_embed}


def reference(X, embed_weight, shared_embed):
    # out = self.embed(X)
    out = jnp.take(embed_weight, X, axis=0)  # [B, embed_dim]
    # shared_embed expanded across batch
    se = jnp.broadcast_to(shared_embed, (out.shape[0], shared_embed.shape[1]))
    # add_shared_embed=False -> overwrite first col_embed_dim columns
    out = out.at[:, : shared_embed.shape[1]].set(se)
    return out

if __name__ == "__main__":
    import jax
    _d = setup_inputs()
    print(jax.jit(kernel)(*tuple(_d.values())))

</pallas_src>

<mosaic_0001>
#map = affine_map<(d0, d1) -> (0, 0)>
#map1 = affine_map<(d0, d1) -> (0)>
module attributes {stable_mosaic.version = 14 : i64} {
  func.func @_body(%arg0: i32, %arg1: i32, %arg2: memref<100000x128xf32, #tpu.memory_space<hbm>>, %arg3: memref<16384xi32, #tpu.memory_space<hbm>>, %arg4: memref<1x32xf32, #tpu.memory_space<hbm>>, %arg5: memref<16384x128xf32, #tpu.memory_space<hbm>>, %arg6: memref<512xi32, #tpu.memory_space<vmem>>, %arg7: memref<512x128xf32, #tpu.memory_space<vmem>>, %arg8: memref<1x32xf32, #tpu.memory_space<vmem>>, %arg9: memref<5x!tpu.dma_semaphore, #tpu.memory_space<semaphore_mem>>, %arg10: memref<!tpu.dma_semaphore, #tpu.memory_space<semaphore_mem>>) attributes {dimension_semantics = [#tpu.dimension_semantics<core_parallel>, #tpu.dimension_semantics<subcore_parallel>], iteration_bounds = array<i64: 2, 16>, scalar_prefetch = 0 : i64, scratch_operands = 5 : i64, tpu.core_type = #tpu.core_type<sc_vector_subcore>, window_params = [{transform_indices = #map}, {transform_indices = #map1}, {transform_indices = #map}, {transform_indices = #map}]} {
    %mul3A = arith.constant 2 : i32
    %mul3A_0 = arith.muli %arg1, %mul3A : i32
    %add3A = arith.addi %mul3A_0, %arg0 : i32
    %mul3A_1 = arith.constant 512 : i32
    %mul3A_2 = arith.muli %add3A, %mul3A_1 : i32
    "tpu.region"() ({
      %run_scoped3A = tpu.sem_alloc : memref<!tpu.dma_semaphore, #tpu.memory_space<semaphore_mem>>
      %dma_start3A_261 = arith.constant 0 : i32
      %dma_start3A_262 = tpu.memref_slice %arg6[%dma_start3A_261] : memref<512xi32, #tpu.memory_space<vmem>> -> memref<128xi32, #tpu.memory_space<vmem>>
      %dma_start3A_263 = tpu.memref_slice %arg3[%mul3A_2] : memref<16384xi32, #tpu.memory_space<hbm>> -> memref<128xi32, #tpu.memory_space<hbm>>
      %dma_start3A_264 = arith.constant 0 : i32
      %dma_start3A_265 = tpu.memref_slice %arg6[%dma_start3A_264] : memref<512xi32, #tpu.memory_space<vmem>> -> memref<128xi32, #tpu.memory_space<vmem>>
      %dma_start3A_266 = tpu.memref_slice %arg3[%mul3A_2] : memref<16384xi32, #tpu.memory_space<hbm>> -> memref<128xi32, #tpu.memory_space<hbm>>
      tpu.enqueue_dma source(%dma_start3A_266 : memref<128xi32, #tpu.memory_space<hbm>>) target(%dma_start3A_265 : memref<128xi32, #tpu.memory_space<vmem>>) target_semaphore(%run_scoped3A : memref<!tpu.dma_semaphore, #tpu.memory_space<semaphore_mem>>)
      %dma_wait3A_267 = arith.constant 0 : i32
      %dma_wait3A_268 = tpu.memref_slice %arg6[%dma_wait3A_267] : memref<512xi32, #tpu.memory_space<vmem>> -> memref<128xi32, #tpu.memory_space<vmem>>
      %dma_wait3A_269 = tpu.memref_slice %arg3[%mul3A_2] : memref<16384xi32, #tpu.memory_space<hbm>> -> memref<128xi32, #tpu.memory_space<hbm>>
      %dma_wait3A_270 = arith.constant 0 : i32
      %dma_wait3A_271 = tpu.memref_slice %arg6[%dma_wait3A_270] : memref<512xi32, #tpu.memory_space<vmem>> -> memref<128xi32, #tpu.memory_space<vmem>>
      %dma_wait3A_272 = tpu.memref_slice %arg3[%mul3A_2] : memref<16384xi32, #tpu.memory_space<hbm>> -> memref<128xi32, #tpu.memory_space<hbm>>
      tpu.wait_dma2 semaphore(%run_scoped3A : memref<!tpu.dma_semaphore, #tpu.memory_space<semaphore_mem>>) src(%dma_wait3A_272 : memref<128xi32, #tpu.memory_space<hbm>>) dst(%dma_wait3A_271 : memref<128xi32, #tpu.memory_space<vmem>>)
      tpu.yield
    }) : () -> ()
    %dma_start3A = arith.constant 0 : i32
    %dma_start3A_3 = arith.constant 0 : i32
    %dma_start3A_4 = arith.constant 0 : i32
    %dma_start3A_5 = tpu.memref_slice %arg7[%dma_start3A_3, %dma_start3A_4] : memref<512x128xf32, #tpu.memory_space<vmem>> -> memref<128x128xf32, #tpu.memory_space<vmem>>
    %dma_start3A_6 = arith.constant 0 : i32
    %dma_start3A_7 = tpu.memref_slice %arg6[%dma_start3A_6] : memref<512xi32, #tpu.memory_space<vmem>> -> memref<128xi32, #tpu.memory_space<vmem>>
    %dma_start3A_8 = arith.constant 0 : i32
    %dma_start3A_9 = arith.constant 0 : i32
    %dma_start3A_10 = tpu.memref_slice %arg2[%dma_start3A_8, %dma_start3A_9] : memref<100000x128xf32, #tpu.memory_space<hbm>> -> memref<100000x128xf32, #tpu.memory_space<hbm>>
    %dma_start3A_11 = tpu.memref_slice %arg9[%dma_start3A] : memref<5x!tpu.dma_semaphore, #tpu.memory_space<semaphore_mem>> -> memref<1x!tpu.dma_semaphore, #tpu.memory_space<semaphore_mem>>
    %dma_start3A_12 = tpu.memref_squeeze %dma_start3A_11 : memref<1x!tpu.dma_semaphore, #tpu.memory_space<semaphore_mem>> -> memref<!tpu.dma_semaphore, #tpu.memory_space<semaphore_mem>>
    tpu.enqueue_indirect_dma source(%dma_start3A_10 : memref<100000x128xf32, #tpu.memory_space<hbm>>) target(%dma_start3A_5 : memref<128x128xf32, #tpu.memory_space<vmem>>) offsets(%dma_start3A_7 : memref<128xi32, #tpu.memory_space<vmem>>) semaphore(%dma_start3A_12 : memref<!tpu.dma_semaphore, #tpu.memory_space<semaphore_mem>>)
    %add3A_13 = arith.constant 128 : i32
    %add3A_14 = arith.addi %mul3A_2, %add3A_13 : i32
    "tpu.region"() ({
      %run_scoped3A = tpu.sem_alloc : memref<!tpu.dma_semaphore, #tpu.memory_space<semaphore_mem>>
      %dma_start3A_261 = arith.constant 128 : i32
      %dma_start3A_262 = tpu.memref_slice %arg6[%dma_start3A_261] : memref<512xi32, #tpu.memory_space<vmem>> -> memref<384xi32, #tpu.memory_space<vmem>>
      %dma_start3A_263 = tpu.memref_slice %arg3[%add3A_14] : memref<16384xi32, #tpu.memory_space<hbm>> -> memref<384xi32, #tpu.memory_space<hbm>>
      %dma_start3A_264 = arith.constant 128 : i32
      %dma_start3A_265 = tpu.memref_slice %arg6[%dma_start3A_264] : memref<512xi32, #tpu.memory_space<vmem>> -> memref<384xi32, #tpu.memory_space<vmem>>
      %dma_start3A_266 = tpu.memref_slice %arg3[%add3A_14] : memref<16384xi32, #tpu.memory_space<hbm>> -> memref<384xi32, #tpu.memory_space<hbm>>
      tpu.enqueue_dma source(%dma_start3A_266 : memref<384xi32, #tpu.memory_space<hbm>>) target(%dma_start3A_265 : memref<384xi32, #tpu.memory_space<vmem>>) target_semaphore(%run_scoped3A : memref<!tpu.dma_semaphore, #tpu.memory_space<semaphore_mem>>)
      %dma_wait3A_267 = arith.constant 128 : i32
      %dma_wait3A_268 = tpu.memref_slice %arg6[%dma_wait3A_267] : memref<512xi32, #tpu.memory_space<vmem>> -> memref<384xi32, #tpu.memory_space<vmem>>
      %dma_wait3A_269 = tpu.memref_slice %arg3[%add3A_14] : memref<16384xi32, #tpu.memory_space<hbm>> -> memref<384xi32, #tpu.memory_space<hbm>>
      %dma_wait3A_270 = arith.constant 128 : i32
      %dma_wait3A_271 = tpu.memref_slice %arg6[%dma_wait3A_270] : memref<512xi32, #tpu.memory_space<vmem>> -> memref<384xi32, #tpu.memory_space<vmem>>
      %dma_wait3A_272 = tpu.memref_slice %arg3[%add3A_14] : memref<16384xi32, #tpu.memory_space<hbm>> -> memref<384xi32, #tpu.memory_space<hbm>>
      tpu.wait_dma2 semaphore(%run_scoped3A : memref<!tpu.dma_semaphore, #tpu.memory_space<semaphore_mem>>) src(%dma_wait3A_272 : memref<384xi32, #tpu.memory_space<hbm>>) dst(%dma_wait3A_271 : memref<384xi32, #tpu.memory_space<vmem>>)
      tpu.yield
    }) : () -> ()
    %dma_start3A_15 = arith.constant 1 : i32
    %dma_start3A_16 = arith.constant 128 : i32
    %dma_start3A_17 = arith.constant 0 : i32
    %dma_start3A_18 = tpu.memref_slice %arg7[%dma_start3A_16, %dma_start3A_17] : memref<512x128xf32, #tpu.memory_space<vmem>> -> memref<128x128xf32, #tpu.memory_space<vmem>>
    %dma_start3A_19 = arith.constant 128 : i32
    %dma_start3A_20 = tpu.memref_slice %arg6[%dma_start3A_19] : memref<512xi32, #tpu.memory_space<vmem>> -> memref<128xi32, #tpu.memory_space<vmem>>
    %dma_start3A_21 = arith.constant 0 : i32
    %dma_start3A_22 = arith.constant 0 : i32
    %dma_start3A_23 = tpu.memref_slice %arg2[%dma_start3A_21, %dma_start3A_22] : memref<100000x128xf32, #tpu.memory_space<hbm>> -> memref<100000x128xf32, #tpu.memory_space<hbm>>
    %dma_start3A_24 = tpu.memref_slice %arg9[%dma_start3A_15] : memref<5x!tpu.dma_semaphore, #tpu.memory_space<semaphore_mem>> -> memref<1x!tpu.dma_semaphore, #tpu.memory_space<semaphore_mem>>
    %dma_start3A_25 = tpu.memref_squeeze %dma_start3A_24 : memref<1x!tpu.dma_semaphore, #tpu.memory_space<semaphore_mem>> -> memref<!tpu.dma_semaphore, #tpu.memory_space<semaphore_mem>>
    tpu.enqueue_indirect_dma source(%dma_start3A_23 : memref<100000x128xf32, #tpu.memory_space<hbm>>) target(%dma_start3A_18 : memref<128x128xf32, #tpu.memory_space<vmem>>) offsets(%dma_start3A_20 : memref<128xi32, #tpu.memory_space<vmem>>) semaphore(%dma_start3A_25 : memref<!tpu.dma_semaphore, #tpu.memory_space<semaphore_mem>>)
    "tpu.region"() ({
      %run_scoped3A = tpu.sem_alloc : memref<!tpu.dma_semaphore, #tpu.memory_space<semaphore_mem>>
      tpu.enqueue_dma source(%arg4 : memref<1x32xf32, #tpu.memory_space<hbm>>) target(%arg8 : memref<1x32xf32, #tpu.memory_space<vmem>>) target_semaphore(%run_scoped3A : memref<!tpu.dma_semaphore, #tpu.memory_space<semaphore_mem>>)
      tpu.wait_dma2 semaphore(%run_scoped3A : memref<!tpu.dma_semaphore, #tpu.memory_space<semaphore_mem>>) src(%arg4 : memref<1x32xf32, #tpu.memory_space<hbm>>) dst(%arg8 : memref<1x32xf32, #tpu.memory_space<vmem>>)
      tpu.yield
    }) : () -> ()
    %get3A = arith.constant 0 : i32
    %get3A_26 = arith.index_cast %get3A : i32 to index
    %get3A_27 = arith.constant 0 : index
    %get3A_28 = tpu.vector_load %arg8[%get3A_26, %get3A_27] {strides = array<i32>} : memref<1x32xf32, #tpu.memory_space<vmem>>, vector<1x16xf32>,
    %get3A_29 = vector.shape_cast %get3A_28 : vector<1x16xf32> to vector<16xf32>
    %get3A_30 = arith.constant 0 : i32
    %get3A_31 = arith.index_cast %get3A_30 : i32 to index
    %get3A_32 = arith.constant 16 : index
    %get3A_33 = tpu.vector_load %arg8[%get3A_31, %get3A_32] {strides = array<i32>} : memref<1x32xf32, #tpu.memory_space<vmem>>, vector<1x16xf32>,
    %get3A_34 = vector.shape_cast %get3A_33 : vector<1x16xf32> to vector<16xf32>
    %dma_wait3A = arith.constant 0 : i32
    %dma_wait3A_35 = arith.constant 0 : i32
    %dma_wait3A_36 = arith.constant 0 : i32
    %dma_wait3A_37 = tpu.memref_slice %arg7[%dma_wait3A_35, %dma_wait3A_36] : memref<512x128xf32, #tpu.memory_space<vmem>> -> memref<128x128xf32, #tpu.memory_space<vmem>>
    %dma_wait3A_38 = arith.constant 0 : i32
    %dma_wait3A_39 = tpu.memref_slice %arg6[%dma_wait3A_38] : memref<512xi32, #tpu.memory_space<vmem>> -> memref<128xi32, #tpu.memory_space<vmem>>
    %dma_wait3A_40 = arith.constant 0 : i32
    %dma_wait3A_41 = arith.constant 0 : i32
    %dma_wait3A_42 = tpu.memref_slice %arg2[%dma_wait3A_40, %dma_wait3A_41] : memref<100000x128xf32, #tpu.memory_space<hbm>> -> memref<100000x128xf32, #tpu.memory_space<hbm>>
    %dma_wait3A_43 = tpu.memref_slice %arg9[%dma_wait3A] : memref<5x!tpu.dma_semaphore, #tpu.memory_space<semaphore_mem>> -> memref<1x!tpu.dma_semaphore, #tpu.memory_space<semaphore_mem>>
    %dma_wait3A_44 = tpu.memref_squeeze %dma_wait3A_43 : memref<1x!tpu.dma_semaphore, #tpu.memory_space<semaphore_mem>> -> memref<!tpu.dma_semaphore, #tpu.memory_space<semaphore_mem>>
    tpu.wait_indirect_dma semaphore(%dma_wait3A_44 : memref<!tpu.dma_semaphore, #tpu.memory_space<semaphore_mem>>) src(%dma_wait3A_42 : memref<100000x128xf32, #tpu.memory_space<hbm>>) dst(%dma_wait3A_37 : memref<128x128xf32, #tpu.memory_space<vmem>>)
    %dma_start3A_45 = arith.constant 2 : i32
    %dma_start3A_46 = arith.constant 256 : i32
    %dma_start3A_47 = arith.constant 0 : i32
    %dma_start3A_48 = tpu.memref_slice %arg7[%dma_start3A_46, %dma_start3A_47] : memref<512x128xf32, #tpu.memory_space<vmem>> -> memref<128x128xf32, #tpu.memory_space<vmem>>
    %dma_start3A_49 = arith.constant 256 : i32
    %dma_start3A_50 = tpu.memref_slice %arg6[%dma_start3A_49] : memref<512xi32, #tpu.memory_space<vmem>> -> memref<128xi32, #tpu.memory_space<vmem>>
    %dma_start3A_51 = arith.constant 0 : i32
    %dma_start3A_52 = arith.constant 0 : i32
    %dma_start3A_53 = tpu.memref_slice %arg2[%dma_start3A_51, %dma_start3A_52] : memref<100000x128xf32, #tpu.memory_space<hbm>> -> memref<100000x128xf32, #tpu.memory_space<hbm>>
    %dma_start3A_54 = tpu.memref_slice %arg9[%dma_start3A_45] : memref<5x!tpu.dma_semaphore, #tpu.memory_space<semaphore_mem>> -> memref<1x!tpu.dma_semaphore, #tpu.memory_space<semaphore_mem>>
    %dma_start3A_55 = tpu.memref_squeeze %dma_start3A_54 : memref<1x!tpu.dma_semaphore, #tpu.memory_space<semaphore_mem>> -> memref<!tpu.dma_semaphore, #tpu.memory_space<semaphore_mem>>
    tpu.enqueue_indirect_dma source(%dma_start3A_53 : memref<100000x128xf32, #tpu.memory_space<hbm>>) target(%dma_start3A_48 : memref<128x128xf32, #tpu.memory_space<vmem>>) offsets(%dma_start3A_50 : memref<128xi32, #tpu.memory_space<vmem>>) semaphore(%dma_start3A_55 : memref<!tpu.dma_semaphore, #tpu.memory_space<semaphore_mem>>)
    %scan3A = arith.constant 0 : i32
    %scan3A_56 = arith.constant 0 : i32
    %scan3A_57 = arith.constant 16 : i32
    %scan3A_58 = arith.addi %scan3A_56, %scan3A_57 : i32
    %scan3A_59 = arith.constant 1 : i32
    scf.for %scan3A_261 = %scan3A_56 to %scan3A_58 step %scan3A_59  : i32 {
      %mul3A_262 = arith.constant 8 : i32
      %mul3A_263 = arith.muli %scan3A_261, %mul3A_262 : i32
      %add3A_264 = arith.constant 0 : i32
      %add3A_265 = arith.addi %add3A_264, %mul3A_263 : i32
      %add3A_266 = arith.constant 0 : i32
      %add3A_267 = arith.addi %add3A_265, %add3A_266 : i32
      %swap3A = arith.index_cast %add3A_267 : i32 to index
      %swap3A_268 = arith.constant 0 : index
      %swap3A_269 = tpu.vector_load %arg7[%swap3A, %swap3A_268] {strides = array<i32>} : memref<512x128xf32, #tpu.memory_space<vmem>>, vector<1x16xf32>,
      %swap3A_270 = vector.shape_cast %swap3A_269 : vector<1x16xf32> to vector<16xf32>
      %swap3A_271 = vector.shape_cast %get3A_29 : vector<16xf32> to vector<1x16xf32>
      tpu.vector_store %arg7[%swap3A, %swap3A_268], %swap3A_271 {strides = array<i32>} : memref<512x128xf32, #tpu.memory_space<vmem>>, vector<1x16xf32>,
      %swap3A_272 = arith.index_cast %add3A_267 : i32 to index
      %swap3A_273 = arith.constant 16 : index
      %swap3A_274 = tpu.vector_load %arg7[%swap3A_272, %swap3A_273] {strides = array<i32>} : memref<512x128xf32, #tpu.memory_space<vmem>>, vector<1x16xf32>,
      %swap3A_275 = vector.shape_cast %swap3A_274 : vector<1x16xf32> to vector<16xf32>
      %swap3A_276 = vector.shape_cast %get3A_34 : vector<16xf32> to vector<1x16xf32>
      tpu.vector_store %arg7[%swap3A_272, %swap3A_273], %swap3A_276 {strides = array<i32>} : memref<512x128xf32, #tpu.memory_space<vmem>>, vector<1x16xf32>,
      %mul3A_277 = arith.constant 8 : i32
      %mul3A_278 = arith.muli %scan3A_261, %mul3A_277 : i32
      %add3A_279 = arith.constant 0 : i32
      %add3A_280 = arith.addi %add3A_279, %mul3A_278 : i32
      %add3A_281 = arith.constant 1 : i32
      %add3A_282 = arith.addi %add3A_280, %add3A_281 : i32
      %swap3A_283 = arith.index_cast %add3A_282 : i32 to index
      %swap3A_284 = arith.constant 0 : index
      %swap3A_285 = tpu.vector_load %arg7[%swap3A_283, %swap3A_284] {strides = array<i32>} : memref<512x128xf32, #tpu.memory_space<vmem>>, vector<1x16xf32>,
      %swap3A_286 = vector.shape_cast %swap3A_285 : vector<1x16xf32> to vector<16xf32>
      %swap3A_287 = vector.shape_cast %get3A_29 : vector<16xf32> to vector<1x16xf32>
      tpu.vector_store %arg7[%swap3A_283, %swap3A_284], %swap3A_287 {strides = array<i32>} : memref<512x128xf32, #tpu.memory_space<vmem>>, vector<1x16xf32>,
      %swap3A_288 = arith.index_cast %add3A_282 : i32 to index
      %swap3A_289 = arith.constant 16 : index
      %swap3A_290 = tpu.vector_load %arg7[%swap3A_288, %swap3A_289] {strides = array<i32>} : memref<512x128xf32, #tpu.memory_space<vmem>>, vector<1x16xf32>,
      %swap3A_291 = vector.shape_cast %swap3A_290 : vector<1x16xf32> to vector<16xf32>
      %swap3A_292 = vector.shape_cast %get3A_34 : vector<16xf32> to vector<1x16xf32>
      tpu.vector_store %arg7[%swap3A_288, %swap3A_289], %swap3A_292 {strides = array<i32>} : memref<512x128xf32, #tpu.memory_space<vmem>>, vector<1x16xf32>,
      %mul3A_293 = arith.constant 8 : i32
      %mul3A_294 = arith.muli %scan3A_261, %mul3A_293 : i32
      %add3A_295 = arith.constant 0 : i32
      %add3A_296 = arith.addi %add3A_295, %mul3A_294 : i32
      %add3A_297 = arith.constant 2 : i32
      %add3A_298 = arith.addi %add3A_296, %add3A_297 : i32
      %swap3A_299 = arith.index_cast %add3A_298 : i32 to index
      %swap3A_300 = arith.constant 0 : index
      %swap3A_301 = tpu.vector_load %arg7[%swap3A_299, %swap3A_300] {strides = array<i32>} : memref<512x128xf32, #tpu.memory_space<vmem>>, vector<1x16xf32>,
      %swap3A_302 = vector.shape_cast %swap3A_301 : vector<1x16xf32> to vector<16xf32>
      %swap3A_303 = vector.shape_cast %get3A_29 : vector<16xf32> to vector<1x16xf32>
      tpu.vector_store %arg7[%swap3A_299, %swap3A_300], %swap3A_303 {strides = array<i32>} : memref<512x128xf32, #tpu.memory_space<vmem>>, vector<1x16xf32>,
      %swap3A_304 = arith.index_cast %add3A_298 : i32 to index
      %swap3A_305 = arith.constant 16 : index
      %swap3A_306 = tpu.vector_load %arg7[%swap3A_304, %swap3A_305] {strides = array<i32>} : memref<512x128xf32, #tpu.memory_space<vmem>>, vector<1x16xf32>,
      %swap3A_307 = vector.shape_cast %swap3A_306 : vector<1x16xf32> to vector<16xf32>
      %swap3A_308 = vector.shape_cast %get3A_34 : vector<16xf32> to vector<1x16xf32>
      tpu.vector_store %arg7[%swap3A_304, %swap3A_305], %swap3A_308 {strides = array<i32>} : memref<512x128xf32, #tpu.memory_space<vmem>>, vector<1x16xf32>,
      %mul3A_309 = arith.constant 8 : i32
      %mul3A_310 = arith.muli %scan3A_261, %mul3A_309 : i32
      %add3A_311 = arith.constant 0 : i32
      %add3A_312 = arith.addi %add3A_311, %mul3A_310 : i32
      %add3A_313 = arith.constant 3 : i32
      %add3A_314 = arith.addi %add3A_312, %add3A_313 : i32
      %swap3A_315 = arith.index_cast %add3A_314 : i32 to index
      %swap3A_316 = arith.constant 0 : index
      %swap3A_317 = tpu.vector_load %arg7[%swap3A_315, %swap3A_316] {strides = array<i32>} : memref<512x128xf32, #tpu.memory_space<vmem>>, vector<1x16xf32>,
      %swap3A_318 = vector.shape_cast %swap3A_317 : vector<1x16xf32> to vector<16xf32>
      %swap3A_319 = vector.shape_cast %get3A_29 : vector<16xf32> to vector<1x16xf32>
      tpu.vector_store %arg7[%swap3A_315, %swap3A_316], %swap3A_319 {strides = array<i32>} : memref<512x128xf32, #tpu.memory_space<vmem>>, vector<1x16xf32>,
      %swap3A_320 = arith.index_cast %add3A_314 : i32 to index
      %swap3A_321 = arith.constant 16 : index
      %swap3A_322 = tpu.vector_load %arg7[%swap3A_320, %swap3A_321] {strides = array<i32>} : memref<512x128xf32, #tpu.memory_space<vmem>>, vector<1x16xf32>,
      %swap3A_323 = vector.shape_cast %swap3A_322 : vector<1x16xf32> to vector<16xf32>
      %swap3A_324 = vector.shape_cast %get3A_34 : vector<16xf32> to vector<1x16xf32>
      tpu.vector_store %arg7[%swap3A_320, %swap3A_321], %swap3A_324 {strides = array<i32>} : memref<512x128xf32, #tpu.memory_space<vmem>>, vector<1x16xf32>,
      %mul3A_325 = arith.constant 8 : i32
      %mul3A_326 = arith.muli %scan3A_261, %mul3A_325 : i32
      %add3A_327 = arith.constant 0 : i32
      %add3A_328 = arith.addi %add3A_327, %mul3A_326 : i32
      %add3A_329 = arith.constant 4 : i32
      %add3A_330 = arith.addi %add3A_328, %add3A_329 : i32
      %swap3A_331 = arith.index_cast %add3A_330 : i32 to index
      %swap3A_332 = arith.constant 0 : index
      %swap3A_333 = tpu.vector_load %arg7[%swap3A_331, %swap3A_332] {strides = array<i32>} : memref<512x128xf32, #tpu.memory_space<vmem>>, vector<1x16xf32>,
      %swap3A_334 = vector.shape_cast %swap3A_333 : vector<1x16xf32> to vector<16xf32>
      %swap3A_335 = vector.shape_cast %get3A_29 : vector<16xf32> to vector<1x16xf32>
      tpu.vector_store %arg7[%swap3A_331, %swap3A_332], %swap3A_335 {strides = array<i32>} : memref<512x128xf32, #tpu.memory_space<vmem>>, vector<1x16xf32>,
      %swap3A_336 = arith.index_cast %add3A_330 : i32 to index
      %swap3A_337 = arith.constant 16 : index
      %swap3A_338 = tpu.vector_load %arg7[%swap3A_336, %swap3A_337] {strides = array<i32>} : memref<512x128xf32, #tpu.memory_space<vmem>>, vector<1x16xf32>,
      %swap3A_339 = vector.shape_cast %swap3A_338 : vector<1x16xf32> to vector<16xf32>
      %swap3A_340 = vector.shape_cast %get3A_34 : vector<16xf32> to vector<1x16xf32>
      tpu.vector_store %arg7[%swap3A_336, %swap3A_337], %swap3A_340 {strides = array<i32>} : memref<512x128xf32, #tpu.memory_space<vmem>>, vector<1x16xf32>,
      %mul3A_341 = arith.constant 8 : i32
      %mul3A_342 = arith.muli %scan3A_261, %mul3A_341 : i32
      %add3A_343 = arith.constant 0 : i32
      %add3A_344 = arith.addi %add3A_343, %mul3A_342 : i32
      %add3A_345 = arith.constant 5 : i32
      %add3A_346 = arith.addi %add3A_344, %add3A_345 : i32
      %swap3A_347 = arith.index_cast %add3A_346 : i32 to index
      %swap3A_348 = arith.constant 0 : index
      %swap3A_349 = tpu.vector_load %arg7[%swap3A_347, %swap3A_348] {strides = array<i32>} : memref<512x128xf32, #tpu.memory_space<vmem>>, vector<1x16xf32>,
      %swap3A_350 = vector.shape_cast %swap3A_349 : vector<1x16xf32> to vector<16xf32>
      %swap3A_351 = vector.shape_cast %get3A_29 : vector<16xf32> to vector<1x16xf32>
      tpu.vector_store %arg7[%swap3A_347, %swap3A_348], %swap3A_351 {strides = array<i32>} : memref<512x128xf32, #tpu.memory_space<vmem>>, vector<1x16xf32>,
      %swap3A_352 = arith.index_cast %add3A_346 : i32 to index
      %swap3A_353 = arith.constant 16 : index
      %swap3A_354 = tpu.vector_load %arg7[%swap3A_352, %swap3A_353] {strides = array<i32>} : memref<512x128xf32, #tpu.memory_space<vmem>>, vector<1x16xf32>,
      %swap3A_355 = vector.shape_cast %swap3A_354 : vector<1x16xf32> to vector<16xf32>
      %swap3A_356 = vector.shape_cast %get3A_34 : vector<16xf32> to vector<1x16xf32>
      tpu.vector_store %arg7[%swap3A_352, %swap3A_353], %swap3A_356 {strides = array<i32>} : memref<512x128xf32, #tpu.memory_space<vmem>>, vector<1x16xf32>,
      %mul3A_357 = arith.constant 8 : i32
      %mul3A_358 = arith.muli %scan3A_261, %mul3A_357 : i32
      %add3A_359 = arith.constant 0 : i32
      %add3A_360 = arith.addi %add3A_359, %mul3A_358 : i32
      %add3A_361 = arith.constant 6 : i32
      %add3A_362 = arith.addi %add3A_360, %add3A_361 : i32
      %swap3A_363 = arith.index_cast %add3A_362 : i32 to index
      %swap3A_364 = arith.constant 0 : index
      %swap3A_365 = tpu.vector_load %arg7[%swap3A_363, %swap3A_364] {strides = array<i32>} : memref<512x128xf32, #tpu.memory_space<vmem>>, vector<1x16xf32>,
      %swap3A_366 = vector.shape_cast %swap3A_365 : vector<1x16xf32> to vector<16xf32>
      %swap3A_367 = vector.shape_cast %get3A_29 : vector<16xf32> to vector<1x16xf32>
      tpu.vector_store %arg7[%swap3A_363, %swap3A_364], %swap3A_367 {strides = array<i32>} : memref<512x128xf32, #tpu.memory_space<vmem>>, vector<1x16xf32>,
      %swap3A_368 = arith.index_cast %add3A_362 : i32 to index
      %swap3A_369 = arith.constant 16 : index
      %swap3A_370 = tpu.vector_load %arg7[%swap3A_368, %swap3A_369] {strides = array<i32>} : memref<512x128xf32, #tpu.memory_space<vmem>>, vector<1x16xf32>,
      %swap3A_371 = vector.shape_cast %swap3A_370 : vector<1x16xf32> to vector<16xf32>
      %swap3A_372 = vector.shape_cast %get3A_34 : vector<16xf32> to vector<1x16xf32>
      tpu.vector_store %arg7[%swap3A_368, %swap3A_369], %swap3A_372 {strides = array<i32>} : memref<512x128xf32, #tpu.memory_space<vmem>>, vector<1x16xf32>,
      %mul3A_373 = arith.constant 8 : i32
      %mul3A_374 = arith.muli %scan3A_261, %mul3A_373 : i32
      %add3A_375 = arith.constant 0 : i32
      %add3A_376 = arith.addi %add3A_375, %mul3A_374 : i32
      %add3A_377 = arith.constant 7 : i32
      %add3A_378 = arith.addi %add3A_376, %add3A_377 : i32
      %swap3A_379 = arith.index_cast %add3A_378 : i32 to index
      %swap3A_380 = arith.constant 0 : index
      %swap3A_381 = tpu.vector_load %arg7[%swap3A_379, %swap3A_380] {strides = array<i32>} : memref<512x128xf32, #tpu.memory_space<vmem>>, vector<1x16xf32>,
      %swap3A_382 = vector.shape_cast %swap3A_381 : vector<1x16xf32> to vector<16xf32>
      %swap3A_383 = vector.shape_cast %get3A_29 : vector<16xf32> to vector<1x16xf32>
      tpu.vector_store %arg7[%swap3A_379, %swap3A_380], %swap3A_383 {strides = array<i32>} : memref<512x128xf32, #tpu.memory_space<vmem>>, vector<1x16xf32>,
      %swap3A_384 = arith.index_cast %add3A_378 : i32 to index
      %swap3A_385 = arith.constant 16 : index
      %swap3A_386 = tpu.vector_load %arg7[%swap3A_384, %swap3A_385] {strides = array<i32>} : memref<512x128xf32, #tpu.memory_space<vmem>>, vector<1x16xf32>,
      %swap3A_387 = vector.shape_cast %swap3A_386 : vector<1x16xf32> to vector<16xf32>
      %swap3A_388 = vector.shape_cast %get3A_34 : vector<16xf32> to vector<1x16xf32>
      tpu.vector_store %arg7[%swap3A_384, %swap3A_385], %swap3A_388 {strides = array<i32>} : memref<512x128xf32, #tpu.memory_space<vmem>>, vector<1x16xf32>,
    }
    %scan3A_60 = arith.constant 16 : i32
    %add3A_61 = arith.constant 0 : i32
    %add3A_62 = arith.addi %mul3A_2, %add3A_61 : i32
    %dma_start3A_63 = arith.constant 0 : i32
    %dma_start3A_64 = arith.constant 0 : i32
    %dma_start3A_65 = tpu.memref_slice %arg7[%dma_start3A_63, %dma_start3A_64] : memref<512x128xf32, #tpu.memory_space<vmem>> -> memref<128x128xf32, #tpu.memory_space<vmem>>
    %dma_start3A_66 = arith.constant 0 : i32
    %dma_start3A_67 = tpu.memref_slice %arg5[%add3A_62, %dma_start3A_66] : memref<16384x128xf32, #tpu.memory_space<hbm>> -> memref<128x128xf32, #tpu.memory_space<hbm>>
    %dma_start3A_68 = arith.constant 0 : i32
    %dma_start3A_69 = tpu.memref_slice %arg5[%add3A_62, %dma_start3A_68] : memref<16384x128xf32, #tpu.memory_space<hbm>> -> memref<128x128xf32, #tpu.memory_space<hbm>>
    %dma_start3A_70 = arith.constant 0 : i32
    %dma_start3A_71 = arith.constant 0 : i32
    %dma_start3A_72 = tpu.memref_slice %arg7[%dma_start3A_70, %dma_start3A_71] : memref<512x128xf32, #tpu.memory_space<vmem>> -> memref<128x128xf32, #tpu.memory_space<vmem>>
    tpu.enqueue_dma source(%dma_start3A_72 : memref<128x128xf32, #tpu.memory_space<vmem>>) target(%dma_start3A_69 : memref<128x128xf32, #tpu.memory_space<hbm>>) target_semaphore(%arg10 : memref<!tpu.dma_semaphore, #tpu.memory_space<semaphore_mem>>)
    %dma_wait3A_73 = arith.constant 1 : i32
    %dma_wait3A_74 = arith.constant 128 : i32
    %dma_wait3A_75 = arith.constant 0 : i32
    %dma_wait3A_76 = tpu.memref_slice %arg7[%dma_wait3A_74, %dma_wait3A_75] : memref<512x128xf32, #tpu.memory_space<vmem>> -> memref<128x128xf32, #tpu.memory_space<vmem>>
    %dma_wait3A_77 = arith.constant 128 : i32
    %dma_wait3A_78 = tpu.memref_slice %arg6[%dma_wait3A_77] : memref<512xi32, #tpu.memory_space<vmem>> -> memref<128xi32, #tpu.memory_space<vmem>>
    %dma_wait3A_79 = arith.constant 0 : i32
    %dma_wait3A_80 = arith.constant 0 : i32
    %dma_wait3A_81 = tpu.memref_slice %arg2[%dma_wait3A_79, %dma_wait3A_80] : memref<100000x128xf32, #tpu.memory_space<hbm>> -> memref<100000x128xf32, #tpu.memory_space<hbm>>
    %dma_wait3A_82 = tpu.memref_slice %arg9[%dma_wait3A_73] : memref<5x!tpu.dma_semaphore, #tpu.memory_space<semaphore_mem>> -> memref<1x!tpu.dma_semaphore, #tpu.memory_space<semaphore_mem>>
    %dma_wait3A_83 = tpu.memref_squeeze %dma_wait3A_82 : memref<1x!tpu.dma_semaphore, #tpu.memory_space<semaphore_mem>> -> memref<!tpu.dma_semaphore, #tpu.memory_space<semaphore_mem>>
    tpu.wait_indirect_dma semaphore(%dma_wait3A_83 : memref<!tpu.dma_semaphore, #tpu.memory_space<semaphore_mem>>) src(%dma_wait3A_81 : memref<100000x128xf32, #tpu.memory_space<hbm>>) dst(%dma_wait3A_76 : memref<128x128xf32, #tpu.memory_space<vmem>>)
    %dma_start3A_84 = arith.constant 3 : i32
    %dma_start3A_85 = arith.constant 384 : i32
    %dma_start3A_86 = arith.constant 0 : i32
    %dma_start3A_87 = tpu.memref_slice %arg7[%dma_start3A_85, %dma_start3A_86] : memref<512x128xf32, #tpu.memory_space<vmem>> -> memref<96x128xf32, #tpu.memory_space<vmem>>
    %dma_start3A_88 = arith.constant 384 : i32
    %dma_start3A_89 = tpu.memref_slice %arg6[%dma_start3A_88] : memref<512xi32, #tpu.memory_space<vmem>> -> memref<96xi32, #tpu.memory_space<vmem>>
    %dma_start3A_90 = arith.constant 0 : i32
    %dma_start3A_91 = arith.constant 0 : i32
    %dma_start3A_92 = tpu.memref_slice %arg2[%dma_start3A_90, %dma_start3A_91] : memref<100000x128xf32, #tpu.memory_space<hbm>> -> memref<100000x128xf32, #tpu.memory_space<hbm>>
    %dma_start3A_93 = tpu.memref_slice %arg9[%dma_start3A_84] : memref<5x!tpu.dma_semaphore, #tpu.memory_space<semaphore_mem>> -> memref<1x!tpu.dma_semaphore, #tpu.memory_space<semaphore_mem>>
    %dma_start3A_94 = tpu.memref_squeeze %dma_start3A_93 : memref<1x!tpu.dma_semaphore, #tpu.memory_space<semaphore_mem>> -> memref<!tpu.dma_semaphore, #tpu.memory_space<semaphore_mem>>
    tpu.enqueue_indirect_dma source(%dma_start3A_92 : memref<100000x128xf32, #tpu.memory_space<hbm>>) target(%dma_start3A_87 : memref<96x128xf32, #tpu.memory_space<vmem>>) offsets(%dma_start3A_89 : memref<96xi32, #tpu.memory_space<vmem>>) semaphore(%dma_start3A_94 : memref<!tpu.dma_semaphore, #tpu.memory_space<semaphore_mem>>)
    %scan3A_95 = arith.constant 0 : i32
    %scan3A_96 = arith.constant 0 : i32
    %scan3A_97 = arith.constant 16 : i32
    %scan3A_98 = arith.addi %scan3A_96, %scan3A_97 : i32
    %scan3A_99 = arith.constant 1 : i32
    scf.for %scan3A_261 = %scan3A_96 to %scan3A_98 step %scan3A_99  : i32 {
      %mul3A_262 = arith.constant 8 : i32
      %mul3A_263 = arith.muli %scan3A_261, %mul3A_262 : i32
      %add3A_264 = arith.constant 128 : i32
      %add3A_265 = arith.addi %add3A_264, %mul3A_263 : i32
      %add3A_266 = arith.constant 0 : i32
      %add3A_267 = arith.addi %add3A_265, %add3A_266 : i32
      %swap3A = arith.index_cast %add3A_267 : i32 to index
      %swap3A_268 = arith.constant 0 : index
      %swap3A_269 = tpu.vector_load %arg7[%swap3A, %swap3A_268] {strides = array<i32>} : memref<512x128xf32, #tpu.memory_space<vmem>>, vector<1x16xf32>,
      %swap3A_270 = vector.shape_cast %swap3A_269 : vector<1x16xf32> to vector<16xf32>
      %swap3A_271 = vector.shape_cast %get3A_29 : vector<16xf32> to vector<1x16xf32>
      tpu.vector_store %arg7[%swap3A, %swap3A_268], %swap3A_271 {strides = array<i32>} : memref<512x128xf32, #tpu.memory_space<vmem>>, vector<1x16xf32>,
      %swap3A_272 = arith.index_cast %add3A_267 : i32 to index
      %swap3A_273 = arith.constant 16 : index
      %swap3A_274 = tpu.vector_load %arg7[%swap3A_272, %swap3A_273] {strides = array<i32>} : memref<512x128xf32, #tpu.memory_space<vmem>>, vector<1x16xf32>,
      %swap3A_275 = vector.shape_cast %swap3A_274 : vector<1x16xf32> to vector<16xf32>
      %swap3A_276 = vector.shape_cast %get3A_34 : vector<16xf32> to vector<1x16xf32>
      tpu.vector_store %arg7[%swap3A_272, %swap3A_273], %swap3A_276 {strides = array<i32>} : memref<512x128xf32, #tpu.memory_space<vmem>>, vector<1x16xf32>,
      %mul3A_277 = arith.constant 8 : i32
      %mul3A_278 = arith.muli %scan3A_261, %mul3A_277 : i32
      %add3A_279 = arith.constant 128 : i32
      %add3A_280 = arith.addi %add3A_279, %mul3A_278 : i32
      %add3A_281 = arith.constant 1 : i32
      %add3A_282 = arith.addi %add3A_280, %add3A_281 : i32
      %swap3A_283 = arith.index_cast %add3A_282 : i32 to index
      %swap3A_284 = arith.constant 0 : index
      %swap3A_285 = tpu.vector_load %arg7[%swap3A_283, %swap3A_284] {strides = array<i32>} : memref<512x128xf32, #tpu.memory_space<vmem>>, vector<1x16xf32>,
      %swap3A_286 = vector.shape_cast %swap3A_285 : vector<1x16xf32> to vector<16xf32>
      %swap3A_287 = vector.shape_cast %get3A_29 : vector<16xf32> to vector<1x16xf32>
      tpu.vector_store %arg7[%swap3A_283, %swap3A_284], %swap3A_287 {strides = array<i32>} : memref<512x128xf32, #tpu.memory_space<vmem>>, vector<1x16xf32>,
      %swap3A_288 = arith.index_cast %add3A_282 : i32 to index
      %swap3A_289 = arith.constant 16 : index
      %swap3A_290 = tpu.vector_load %arg7[%swap3A_288, %swap3A_289] {strides = array<i32>} : memref<512x128xf32, #tpu.memory_space<vmem>>, vector<1x16xf32>,
      %swap3A_291 = vector.shape_cast %swap3A_290 : vector<1x16xf32> to vector<16xf32>
      %swap3A_292 = vector.shape_cast %get3A_34 : vector<16xf32> to vector<1x16xf32>
      tpu.vector_store %arg7[%swap3A_288, %swap3A_289], %swap3A_292 {strides = array<i32>} : memref<512x128xf32, #tpu.memory_space<vmem>>, vector<1x16xf32>,
      %mul3A_293 = arith.constant 8 : i32
      %mul3A_294 = arith.muli %scan3A_261, %mul3A_293 : i32
      %add3A_295 = arith.constant 128 : i32
      %add3A_296 = arith.addi %add3A_295, %mul3A_294 : i32
      %add3A_297 = arith.constant 2 : i32
      %add3A_298 = arith.addi %add3A_296, %add3A_297 : i32
      %swap3A_299 = arith.index_cast %add3A_298 : i32 to index
      %swap3A_300 = arith.constant 0 : index
      %swap3A_301 = tpu.vector_load %arg7[%swap3A_299, %swap3A_300] {strides = array<i32>} : memref<512x128xf32, #tpu.memory_space<vmem>>, vector<1x16xf32>,
      %swap3A_302 = vector.shape_cast %swap3A_301 : vector<1x16xf32> to vector<16xf32>
      %swap3A_303 = vector.shape_cast %get3A_29 : vector<16xf32> to vector<1x16xf32>
      tpu.vector_store %arg7[%swap3A_299, %swap3A_300], %swap3A_303 {strides = array<i32>} : memref<512x128xf32, #tpu.memory_space<vmem>>, vector<1x16xf32>,
      %swap3A_304 = arith.index_cast %add3A_298 : i32 to index
      %swap3A_305 = arith.constant 16 : index
      %swap3A_306 = tpu.vector_load %arg7[%swap3A_304, %swap3A_305] {strides = array<i32>} : memref<512x128xf32, #tpu.memory_space<vmem>>, vector<1x16xf32>,
      %swap3A_307 = vector.shape_cast %swap3A_306 : vector<1x16xf32> to vector<16xf32>
      %swap3A_308 = vector.shape_cast %get3A_34 : vector<16xf32> to vector<1x16xf32>
      tpu.vector_store %arg7[%swap3A_304, %swap3A_305], %swap3A_308 {strides = array<i32>} : memref<512x128xf32, #tpu.memory_space<vmem>>, vector<1x16xf32>,
      %mul3A_309 = arith.constant 8 : i32
      %mul3A_310 = arith.muli %scan3A_261, %mul3A_309 : i32
      %add3A_311 = arith.constant 128 : i32
      %add3A_312 = arith.addi %add3A_311, %mul3A_310 : i32
      %add3A_313 = arith.constant 3 : i32
      %add3A_314 = arith.addi %add3A_312, %add3A_313 : i32
      %swap3A_315 = arith.index_cast %add3A_314 : i32 to index
      %swap3A_316 = arith.constant 0 : index
      %swap3A_317 = tpu.vector_load %arg7[%swap3A_315, %swap3A_316] {strides = array<i32>} : memref<512x128xf32, #tpu.memory_space<vmem>>, vector<1x16xf32>,
      %swap3A_318 = vector.shape_cast %swap3A_317 : vector<1x16xf32> to vector<16xf32>
      %swap3A_319 = vector.shape_cast %get3A_29 : vector<16xf32> to vector<1x16xf32>
      tpu.vector_store %arg7[%swap3A_315, %swap3A_316], %swap3A_319 {strides = array<i32>} : memref<512x128xf32, #tpu.memory_space<vmem>>, vector<1x16xf32>,
      %swap3A_320 = arith.index_cast %add3A_314 : i32 to index
      %swap3A_321 = arith.constant 16 : index
      %swap3A_322 = tpu.vector_load %arg7[%swap3A_320, %swap3A_321] {strides = array<i32>} : memref<512x128xf32, #tpu.memory_space<vmem>>, vector<1x16xf32>,
      %swap3A_323 = vector.shape_cast %swap3A_322 : vector<1x16xf32> to vector<16xf32>
      %swap3A_324 = vector.shape_cast %get3A_34 : vector<16xf32> to vector<1x16xf32>
      tpu.vector_store %arg7[%swap3A_320, %swap3A_321], %swap3A_324 {strides = array<i32>} : memref<512x128xf32, #tpu.memory_space<vmem>>, vector<1x16xf32>,
      %mul3A_325 = arith.constant 8 : i32
      %mul3A_326 = arith.muli %scan3A_261, %mul3A_325 : i32
      %add3A_327 = arith.constant 128 : i32
      %add3A_328 = arith.addi %add3A_327, %mul3A_326 : i32
      %add3A_329 = arith.constant 4 : i32
      %add3A_330 = arith.addi %add3A_328, %add3A_329 : i32
      %swap3A_331 = arith.index_cast %add3A_330 : i32 to index
      %swap3A_332 = arith.constant 0 : index
      %swap3A_333 = tpu.vector_load %arg7[%swap3A_331, %swap3A_332] {strides = array<i32>} : memref<512x128xf32, #tpu.memory_space<vmem>>, vector<1x16xf32>,
      %swap3A_334 = vector.shape_cast %swap3A_333 : vector<1x16xf32> to vector<16xf32>
      %swap3A_335 = vector.shape_cast %get3A_29 : vector<16xf32> to vector<1x16xf32>
      tpu.vector_store %arg7[%swap3A_331, %swap3A_332], %swap3A_335 {strides = array<i32>} : memref<512x128xf32, #tpu.memory_space<vmem>>, vector<1x16xf32>,
      %swap3A_336 = arith.index_cast %add3A_330 : i32 to index
      %swap3A_337 = arith.constant 16 : index
      %swap3A_338 = tpu.vector_load %arg7[%swap3A_336, %swap3A_337] {strides = array<i32>} : memref<512x128xf32, #tpu.memory_space<vmem>>, vector<1x16xf32>,
      %swap3A_339 = vector.shape_cast %swap3A_338 : vector<1x16xf32> to vector<16xf32>
      %swap3A_340 = vector.shape_cast %get3A_34 : vector<16xf32> to vector<1x16xf32>
      tpu.vector_store %arg7[%swap3A_336, %swap3A_337], %swap3A_340 {strides = array<i32>} : memref<512x128xf32, #tpu.memory_space<vmem>>, vector<1x16xf32>,
      %mul3A_341 = arith.constant 8 : i32
      %mul3A_342 = arith.muli %scan3A_261, %mul3A_341 : i32
      %add3A_343 = arith.constant 128 : i32
      %add3A_344 = arith.addi %add3A_343, %mul3A_342 : i32
      %add3A_345 = arith.constant 5 : i32
      %add3A_346 = arith.addi %add3A_344, %add3A_345 : i32
      %swap3A_347 = arith.index_cast %add3A_346 : i32 to index
      %swap3A_348 = arith.constant 0 : index
      %swap3A_349 = tpu.vector_load %arg7[%swap3A_347, %swap3A_348] {strides = array<i32>} : memref<512x128xf32, #tpu.memory_space<vmem>>, vector<1x16xf32>,
      %swap3A_350 = vector.shape_cast %swap3A_349 : vector<1x16xf32> to vector<16xf32>
      %swap3A_351 = vector.shape_cast %get3A_29 : vector<16xf32> to vector<1x16xf32>
      tpu.vector_store %arg7[%swap3A_347, %swap3A_348], %swap3A_351 {strides = array<i32>} : memref<512x128xf32, #tpu.memory_space<vmem>>, vector<1x16xf32>,
      %swap3A_352 = arith.index_cast %add3A_346 : i32 to index
      %swap3A_353 = arith.constant 16 : index
      %swap3A_354 = tpu.vector_load %arg7[%swap3A_352, %swap3A_353] {strides = array<i32>} : memref<512x128xf32, #tpu.memory_space<vmem>>, vector<1x16xf32>,
      %swap3A_355 = vector.shape_cast %swap3A_354 : vector<1x16xf32> to vector<16xf32>
      %swap3A_356 = vector.shape_cast %get3A_34 : vector<16xf32> to vector<1x16xf32>
      tpu.vector_store %arg7[%swap3A_352, %swap3A_353], %swap3A_356 {strides = array<i32>} : memref<512x128xf32, #tpu.memory_space<vmem>>, vector<1x16xf32>,
      %mul3A_357 = arith.constant 8 : i32
      %mul3A_358 = arith.muli %scan3A_261, %mul3A_357 : i32
      %add3A_359 = arith.constant 128 : i32
      %add3A_360 = arith.addi %add3A_359, %mul3A_358 : i32
      %add3A_361 = arith.constant 6 : i32
      %add3A_362 = arith.addi %add3A_360, %add3A_361 : i32
      %swap3A_363 = arith.index_cast %add3A_362 : i32 to index
      %swap3A_364 = arith.constant 0 : index
      %swap3A_365 = tpu.vector_load %arg7[%swap3A_363, %swap3A_364] {strides = array<i32>} : memref<512x128xf32, #tpu.memory_space<vmem>>, vector<1x16xf32>,
      %swap3A_366 = vector.shape_cast %swap3A_365 : vector<1x16xf32> to vector<16xf32>
      %swap3A_367 = vector.shape_cast %get3A_29 : vector<16xf32> to vector<1x16xf32>
      tpu.vector_store %arg7[%swap3A_363, %swap3A_364], %swap3A_367 {strides = array<i32>} : memref<512x128xf32, #tpu.memory_space<vmem>>, vector<1x16xf32>,
      %swap3A_368 = arith.index_cast %add3A_362 : i32 to index
      %swap3A_369 = arith.constant 16 : index
      %swap3A_370 = tpu.vector_load %arg7[%swap3A_368, %swap3A_369] {strides = array<i32>} : memref<512x128xf32, #tpu.memory_space<vmem>>, vector<1x16xf32>,
      %swap3A_371 = vector.shape_cast %swap3A_370 : vector<1x16xf32> to vector<16xf32>
      %swap3A_372 = vector.shape_cast %get3A_34 : vector<16xf32> to vector<1x16xf32>
      tpu.vector_store %arg7[%swap3A_368, %swap3A_369], %swap3A_372 {strides = array<i32>} : memref<512x128xf32, #tpu.memory_space<vmem>>, vector<1x16xf32>,
      %mul3A_373 = arith.constant 8 : i32
      %mul3A_374 = arith.muli %scan3A_261, %mul3A_373 : i32
      %add3A_375 = arith.constant 128 : i32
      %add3A_376 = arith.addi %add3A_375, %mul3A_374 : i32
      %add3A_377 = arith.constant 7 : i32
      %add3A_378 = arith.addi %add3A_376, %add3A_377 : i32
      %swap3A_379 = arith.index_cast %add3A_378 : i32 to index
      %swap3A_380 = arith.constant 0 : index
      %swap3A_381 = tpu.vector_load %arg7[%swap3A_379, %swap3A_380] {strides = array<i32>} : memref<512x128xf32, #tpu.memory_space<vmem>>, vector<1x16xf32>,
      %swap3A_382 = vector.shape_cast %swap3A_381 : vector<1x16xf32> to vector<16xf32>
      %swap3A_383 = vector.shape_cast %get3A_29 : vector<16xf32> to vector<1x16xf32>
      tpu.vector_store %arg7[%swap3A_379, %swap3A_380], %swap3A_383 {strides = array<i32>} : memref<512x128xf32, #tpu.memory_space<vmem>>, vector<1x16xf32>,
      %swap3A_384 = arith.index_cast %add3A_378 : i32 to index
      %swap3A_385 = arith.constant 16 : index
      %swap3A_386 = tpu.vector_load %arg7[%swap3A_384, %swap3A_385] {strides = array<i32>} : memref<512x128xf32, #tpu.memory_space<vmem>>, vector<1x16xf32>,
      %swap3A_387 = vector.shape_cast %swap3A_386 : vector<1x16xf32> to vector<16xf32>
      %swap3A_388 = vector.shape_cast %get3A_34 : vector<16xf32> to vector<1x16xf32>
      tpu.vector_store %arg7[%swap3A_384, %swap3A_385], %swap3A_388 {strides = array<i32>} : memref<512x128xf32, #tpu.memory_space<vmem>>, vector<1x16xf32>,
    }
    %scan3A_100 = arith.constant 16 : i32
    %add3A_101 = arith.constant 128 : i32
    %add3A_102 = arith.addi %mul3A_2, %add3A_101 : i32
    %dma_start3A_103 = arith.constant 128 : i32
    %dma_start3A_104 = arith.constant 0 : i32
    %dma_start3A_105 = tpu.memref_slice %arg7[%dma_start3A_103, %dma_start3A_104] : memref<512x128xf32, #tpu.memory_space<vmem>> -> memref<128x128xf32, #tpu.memory_space<vmem>>
    %dma_start3A_106 = arith.constant 0 : i32
    %dma_start3A_107 = tpu.memref_slice %arg5[%add3A_102, %dma_start3A_106] : memref<16384x128xf32, #tpu.memory_space<hbm>> -> memref<128x128xf32, #tpu.memory_space<hbm>>
    %dma_start3A_108 = arith.constant 0 : i32
    %dma_start3A_109 = tpu.memref_slice %arg5[%add3A_102, %dma_start3A_108] : memref<16384x128xf32, #tpu.memory_space<hbm>> -> memref<128x128xf32, #tpu.memory_space<hbm>>
    %dma_start3A_110 = arith.constant 128 : i32
    %dma_start3A_111 = arith.constant 0 : i32
    %dma_start3A_112 = tpu.memref_slice %arg7[%dma_start3A_110, %dma_start3A_111] : memref<512x128xf32, #tpu.memory_space<vmem>> -> memref<128x128xf32, #tpu.memory_space<vmem>>
    tpu.enqueue_dma source(%dma_start3A_112 : memref<128x128xf32, #tpu.memory_space<vmem>>) target(%dma_start3A_109 : memref<128x128xf32, #tpu.memory_space<hbm>>) target_semaphore(%arg10 : memref<!tpu.dma_semaphore, #tpu.memory_space<semaphore_mem>>)
    %dma_wait3A_113 = arith.constant 2 : i32
    %dma_wait3A_114 = arith.constant 256 : i32
    %dma_wait3A_115 = arith.constant 0 : i32
    %dma_wait3A_116 = tpu.memref_slice %arg7[%dma_wait3A_114, %dma_wait3A_115] : memref<512x128xf32, #tpu.memory_space<vmem>> -> memref<128x128xf32, #tpu.memory_space<vmem>>
    %dma_wait3A_117 = arith.constant 256 : i32
    %dma_wait3A_118 = tpu.memref_slice %arg6[%dma_wait3A_117] : memref<512xi32, #tpu.memory_space<vmem>> -> memref<128xi32, #tpu.memory_space<vmem>>
    %dma_wait3A_119 = arith.constant 0 : i32
    %dma_wait3A_120 = arith.constant 0 : i32
    %dma_wait3A_121 = tpu.memref_slice %arg2[%dma_wait3A_119, %dma_wait3A_120] : memref<100000x128xf32, #tpu.memory_space<hbm>> -> memref<100000x128xf32, #tpu.memory_space<hbm>>
    %dma_wait3A_122 = tpu.memref_slice %arg9[%dma_wait3A_113] : memref<5x!tpu.dma_semaphore, #tpu.memory_space<semaphore_mem>> -> memref<1x!tpu.dma_semaphore, #tpu.memory_space<semaphore_mem>>
    %dma_wait3A_123 = tpu.memref_squeeze %dma_wait3A_122 : memref<1x!tpu.dma_semaphore, #tpu.memory_space<semaphore_mem>> -> memref<!tpu.dma_semaphore, #tpu.memory_space<semaphore_mem>>
    tpu.wait_indirect_dma semaphore(%dma_wait3A_123 : memref<!tpu.dma_semaphore, #tpu.memory_space<semaphore_mem>>) src(%dma_wait3A_121 : memref<100000x128xf32, #tpu.memory_space<hbm>>) dst(%dma_wait3A_116 : memref<128x128xf32, #tpu.memory_space<vmem>>)
    %dma_start3A_124 = arith.constant 4 : i32
    %dma_start3A_125 = arith.constant 480 : i32
    %dma_start3A_126 = arith.constant 0 : i32
    %dma_start3A_127 = tpu.memref_slice %arg7[%dma_start3A_125, %dma_start3A_126] : memref<512x128xf32, #tpu.memory_space<vmem>> -> memref<32x128xf32, #tpu.memory_space<vmem>>
    %dma_start3A_128 = arith.constant 480 : i32
    %dma_start3A_129 = tpu.memref_slice %arg6[%dma_start3A_128] : memref<512xi32, #tpu.memory_space<vmem>> -> memref<32xi32, #tpu.memory_space<vmem>>
    %dma_start3A_130 = arith.constant 0 : i32
    %dma_start3A_131 = arith.constant 0 : i32
    %dma_start3A_132 = tpu.memref_slice %arg2[%dma_start3A_130, %dma_start3A_131] : memref<100000x128xf32, #tpu.memory_space<hbm>> -> memref<100000x128xf32, #tpu.memory_space<hbm>>
    %dma_start3A_133 = tpu.memref_slice %arg9[%dma_start3A_124] : memref<5x!tpu.dma_semaphore, #tpu.memory_space<semaphore_mem>> -> memref<1x!tpu.dma_semaphore, #tpu.memory_space<semaphore_mem>>
    %dma_start3A_134 = tpu.memref_squeeze %dma_start3A_133 : memref<1x!tpu.dma_semaphore, #tpu.memory_space<semaphore_mem>> -> memref<!tpu.dma_semaphore, #tpu.memory_space<semaphore_mem>>
    tpu.enqueue_indirect_dma source(%dma_start3A_132 : memref<100000x128xf32, #tpu.memory_space<hbm>>) target(%dma_start3A_127 : memref<32x128xf32, #tpu.memory_space<vmem>>) offsets(%dma_start3A_129 : memref<32xi32, #tpu.memory_space<vmem>>) semaphore(%dma_start3A_134 : memref<!tpu.dma_semaphore, #tpu.memory_space<semaphore_mem>>)
    %scan3A_135 = arith.constant 0 : i32
    %scan3A_136 = arith.constant 0 : i32
    %scan3A_137 = arith.constant 16 : i32
    %scan3A_138 = arith.addi %scan3A_136, %scan3A_137 : i32
    %scan3A_139 = arith.constant 1 : i32
    scf.for %scan3A_261 = %scan3A_136 to %scan3A_138 step %scan3A_139  : i32 {
      %mul3A_262 = arith.constant 8 : i32
      %mul3A_263 = arith.muli %scan3A_261, %mul3A_262 : i32
      %add3A_264 = arith.constant 256 : i32
      %add3A_265 = arith.addi %add3A_264, %mul3A_263 : i32
      %add3A_266 = arith.constant 0 : i32
      %add3A_267 = arith.addi %add3A_265, %add3A_266 : i32
      %swap3A = arith.index_cast %add3A_267 : i32 to index
      %swap3A_268 = arith.constant 0 : index
      %swap3A_269 = tpu.vector_load %arg7[%swap3A, %swap3A_268] {strides = array<i32>} : memref<512x128xf32, #tpu.memory_space<vmem>>, vector<1x16xf32>,
      %swap3A_270 = vector.shape_cast %swap3A_269 : vector<1x16xf32> to vector<16xf32>
      %swap3A_271 = vector.shape_cast %get3A_29 : vector<16xf32> to vector<1x16xf32>
      tpu.vector_store %arg7[%swap3A, %swap3A_268], %swap3A_271 {strides = array<i32>} : memref<512x128xf32, #tpu.memory_space<vmem>>, vector<1x16xf32>,
      %swap3A_272 = arith.index_cast %add3A_267 : i32 to index
      %swap3A_273 = arith.constant 16 : index
      %swap3A_274 = tpu.vector_load %arg7[%swap3A_272, %swap3A_273] {strides = array<i32>} : memref<512x128xf32, #tpu.memory_space<vmem>>, vector<1x16xf32>,
      %swap3A_275 = vector.shape_cast %swap3A_274 : vector<1x16xf32> to vector<16xf32>
      %swap3A_276 = vector.shape_cast %get3A_34 : vector<16xf32> to vector<1x16xf32>
      tpu.vector_store %arg7[%swap3A_272, %swap3A_273], %swap3A_276 {strides = array<i32>} : memref<512x128xf32, #tpu.memory_space<vmem>>, vector<1x16xf32>,
      %mul3A_277 = arith.constant 8 : i32
      %mul3A_278 = arith.muli %scan3A_261, %mul3A_277 : i32
      %add3A_279 = arith.constant 256 : i32
      %add3A_280 = arith.addi %add3A_279, %mul3A_278 : i32
      %add3A_281 = arith.constant 1 : i32
      %add3A_282 = arith.addi %add3A_280, %add3A_281 : i32
      %swap3A_283 = arith.index_cast %add3A_282 : i32 to index
      %swap3A_284 = arith.constant 0 : index
      %swap3A_285 = tpu.vector_load %arg7[%swap3A_283, %swap3A_284] {strides = array<i32>} : memref<512x128xf32, #tpu.memory_space<vmem>>, vector<1x16xf32>,
      %swap3A_286 = vector.shape_cast %swap3A_285 : vector<1x16xf32> to vector<16xf32>
      %swap3A_287 = vector.shape_cast %get3A_29 : vector<16xf32> to vector<1x16xf32>
      tpu.vector_store %arg7[%swap3A_283, %swap3A_284], %swap3A_287 {strides = array<i32>} : memref<512x128xf32, #tpu.memory_space<vmem>>, vector<1x16xf32>,
      %swap3A_288 = arith.index_cast %add3A_282 : i32 to index
      %swap3A_289 = arith.constant 16 : index
      %swap3A_290 = tpu.vector_load %arg7[%swap3A_288, %swap3A_289] {strides = array<i32>} : memref<512x128xf32, #tpu.memory_space<vmem>>, vector<1x16xf32>,
      %swap3A_291 = vector.shape_cast %swap3A_290 : vector<1x16xf32> to vector<16xf32>
      %swap3A_292 = vector.shape_cast %get3A_34 : vector<16xf32> to vector<1x16xf32>
      tpu.vector_store %arg7[%swap3A_288, %swap3A_289], %swap3A_292 {strides = array<i32>} : memref<512x128xf32, #tpu.memory_space<vmem>>, vector<1x16xf32>,
      %mul3A_293 = arith.constant 8 : i32
      %mul3A_294 = arith.muli %scan3A_261, %mul3A_293 : i32
      %add3A_295 = arith.constant 256 : i32
      %add3A_296 = arith.addi %add3A_295, %mul3A_294 : i32
      %add3A_297 = arith.constant 2 : i32
      %add3A_298 = arith.addi %add3A_296, %add3A_297 : i32
      %swap3A_299 = arith.index_cast %add3A_298 : i32 to index
      %swap3A_300 = arith.constant 0 : index
      %swap3A_301 = tpu.vector_load %arg7[%swap3A_299, %swap3A_300] {strides = array<i32>} : memref<512x128xf32, #tpu.memory_space<vmem>>, vector<1x16xf32>,
      %swap3A_302 = vector.shape_cast %swap3A_301 : vector<1x16xf32> to vector<16xf32>
      %swap3A_303 = vector.shape_cast %get3A_29 : vector<16xf32> to vector<1x16xf32>
      tpu.vector_store %arg7[%swap3A_299, %swap3A_300], %swap3A_303 {strides = array<i32>} : memref<512x128xf32, #tpu.memory_space<vmem>>, vector<1x16xf32>,
      %swap3A_304 = arith.index_cast %add3A_298 : i32 to index
      %swap3A_305 = arith.constant 16 : index
      %swap3A_306 = tpu.vector_load %arg7[%swap3A_304, %swap3A_305] {strides = array<i32>} : memref<512x128xf32, #tpu.memory_space<vmem>>, vector<1x16xf32>,
      %swap3A_307 = vector.shape_cast %swap3A_306 : vector<1x16xf32> to vector<16xf32>
      %swap3A_308 = vector.shape_cast %get3A_34 : vector<16xf32> to vector<1x16xf32>
      tpu.vector_store %arg7[%swap3A_304, %swap3A_305], %swap3A_308 {strides = array<i32>} : memref<512x128xf32, #tpu.memory_space<vmem>>, vector<1x16xf32>,
      %mul3A_309 = arith.constant 8 : i32
      %mul3A_310 = arith.muli %scan3A_261, %mul3A_309 : i32
      %add3A_311 = arith.constant 256 : i32
      %add3A_312 = arith.addi %add3A_311, %mul3A_310 : i32
      %add3A_313 = arith.constant 3 : i32
      %add3A_314 = arith.addi %add3A_312, %add3A_313 : i32
      %swap3A_315 = arith.index_cast %add3A_314 : i32 to index
      %swap3A_316 = arith.constant 0 : index
      %swap3A_317 = tpu.vector_load %arg7[%swap3A_315, %swap3A_316] {strides = array<i32>} : memref<512x128xf32, #tpu.memory_space<vmem>>, vector<1x16xf32>,
      %swap3A_318 = vector.shape_cast %swap3A_317 : vector<1x16xf32> to vector<16xf32>
      %swap3A_319 = vector.shape_cast %get3A_29 : vector<16xf32> to vector<1x16xf32>
      tpu.vector_store %arg7[%swap3A_315, %swap3A_316], %swap3A_319 {strides = array<i32>} : memref<512x128xf32, #tpu.memory_space<vmem>>, vector<1x16xf32>,
      %swap3A_320 = arith.index_cast %add3A_314 : i32 to index
      %swap3A_321 = arith.constant 16 : index
      %swap3A_322 = tpu.vector_load %arg7[%swap3A_320, %swap3A_321] {strides = array<i32>} : memref<512x128xf32, #tpu.memory_space<vmem>>, vector<1x16xf32>,
      %swap3A_323 = vector.shape_cast %swap3A_322 : vector<1x16xf32> to vector<16xf32>
      %swap3A_324 = vector.shape_cast %get3A_34 : vector<16xf32> to vector<1x16xf32>
      tpu.vector_store %arg7[%swap3A_320, %swap3A_321], %swap3A_324 {strides = array<i32>} : memref<512x128xf32, #tpu.memory_space<vmem>>, vector<1x16xf32>,
      %mul3A_325 = arith.constant 8 : i32
      %mul3A_326 = arith.muli %scan3A_261, %mul3A_325 : i32
      %add3A_327 = arith.constant 256 : i32
      %add3A_328 = arith.addi %add3A_327, %mul3A_326 : i32
      %add3A_329 = arith.constant 4 : i32
      %add3A_330 = arith.addi %add3A_328, %add3A_329 : i32
      %swap3A_331 = arith.index_cast %add3A_330 : i32 to index
      %swap3A_332 = arith.constant 0 : index
      %swap3A_333 = tpu.vector_load %arg7[%swap3A_331, %swap3A_332] {strides = array<i32>} : memref<512x128xf32, #tpu.memory_space<vmem>>, vector<1x16xf32>,
      %swap3A_334 = vector.shape_cast %swap3A_333 : vector<1x16xf32> to vector<16xf32>
      %swap3A_335 = vector.shape_cast %get3A_29 : vector<16xf32> to vector<1x16xf32>
      tpu.vector_store %arg7[%swap3A_331, %swap3A_332], %swap3A_335 {strides = array<i32>} : memref<512x128xf32, #tpu.memory_space<vmem>>, vector<1x16xf32>,
      %swap3A_336 = arith.index_cast %add3A_330 : i32 to index
      %swap3A_337 = arith.constant 16 : index
      %swap3A_338 = tpu.vector_load %arg7[%swap3A_336, %swap3A_337] {strides = array<i32>} : memref<512x128xf32, #tpu.memory_space<vmem>>, vector<1x16xf32>,
      %swap3A_339 = vector.shape_cast %swap3A_338 : vector<1x16xf32> to vector<16xf32>
      %swap3A_340 = vector.shape_cast %get3A_34 : vector<16xf32> to vector<1x16xf32>
      tpu.vector_store %arg7[%swap3A_336, %swap3A_337], %swap3A_340 {strides = array<i32>} : memref<512x128xf32, #tpu.memory_space<vmem>>, vector<1x16xf32>,
      %mul3A_341 = arith.constant 8 : i32
      %mul3A_342 = arith.muli %scan3A_261, %mul3A_341 : i32
      %add3A_343 = arith.constant 256 : i32
      %add3A_344 = arith.addi %add3A_343, %mul3A_342 : i32
      %add3A_345 = arith.constant 5 : i32
      %add3A_346 = arith.addi %add3A_344, %add3A_345 : i32
      %swap3A_347 = arith.index_cast %add3A_346 : i32 to index
      %swap3A_348 = arith.constant 0 : index
      %swap3A_349 = tpu.vector_load %arg7[%swap3A_347, %swap3A_348] {strides = array<i32>} : memref<512x128xf32, #tpu.memory_space<vmem>>, vector<1x16xf32>,
      %swap3A_350 = vector.shape_cast %swap3A_349 : vector<1x16xf32> to vector<16xf32>
      %swap3A_351 = vector.shape_cast %get3A_29 : vector<16xf32> to vector<1x16xf32>
      tpu.vector_store %arg7[%swap3A_347, %swap3A_348], %swap3A_351 {strides = array<i32>} : memref<512x128xf32, #tpu.memory_space<vmem>>, vector<1x16xf32>,
      %swap3A_352 = arith.index_cast %add3A_346 : i32 to index
      %swap3A_353 = arith.constant 16 : index
      %swap3A_354 = tpu.vector_load %arg7[%swap3A_352, %swap3A_353] {strides = array<i32>} : memref<512x128xf32, #tpu.memory_space<vmem>>, vector<1x16xf32>,
      %swap3A_355 = vector.shape_cast %swap3A_354 : vector<1x16xf32> to vector<16xf32>
      %swap3A_356 = vector.shape_cast %get3A_34 : vector<16xf32> to vector<1x16xf32>
      tpu.vector_store %arg7[%swap3A_352, %swap3A_353], %swap3A_356 {strides = array<i32>} : memref<512x128xf32, #tpu.memory_space<vmem>>, vector<1x16xf32>,
      %mul3A_357 = arith.constant 8 : i32
      %mul3A_358 = arith.muli %scan3A_261, %mul3A_357 : i32
      %add3A_359 = arith.constant 256 : i32
      %add3A_360 = arith.addi %add3A_359, %mul3A_358 : i32
      %add3A_361 = arith.constant 6 : i32
      %add3A_362 = arith.addi %add3A_360, %add3A_361 : i32
      %swap3A_363 = arith.index_cast %add3A_362 : i32 to index
      %swap3A_364 = arith.constant 0 : index
      %swap3A_365 = tpu.vector_load %arg7[%swap3A_363, %swap3A_364] {strides = array<i32>} : memref<512x128xf32, #tpu.memory_space<vmem>>, vector<1x16xf32>,
      %swap3A_366 = vector.shape_cast %swap3A_365 : vector<1x16xf32> to vector<16xf32>
      %swap3A_367 = vector.shape_cast %get3A_29 : vector<16xf32> to vector<1x16xf32>
      tpu.vector_store %arg7[%swap3A_363, %swap3A_364], %swap3A_367 {strides = array<i32>} : memref<512x128xf32, #tpu.memory_space<vmem>>, vector<1x16xf32>,
      %swap3A_368 = arith.index_cast %add3A_362 : i32 to index
      %swap3A_369 = arith.constant 16 : index
      %swap3A_370 = tpu.vector_load %arg7[%swap3A_368, %swap3A_369] {strides = array<i32>} : memref<512x128xf32, #tpu.memory_space<vmem>>, vector<1x16xf32>,
      %swap3A_371 = vector.shape_cast %swap3A_370 : vector<1x16xf32> to vector<16xf32>
      %swap3A_372 = vector.shape_cast %get3A_34 : vector<16xf32> to vector<1x16xf32>
      tpu.vector_store %arg7[%swap3A_368, %swap3A_369], %swap3A_372 {strides = array<i32>} : memref<512x128xf32, #tpu.memory_space<vmem>>, vector<1x16xf32>,
      %mul3A_373 = arith.constant 8 : i32
      %mul3A_374 = arith.muli %scan3A_261, %mul3A_373 : i32
      %add3A_375 = arith.constant 256 : i32
      %add3A_376 = arith.addi %add3A_375, %mul3A_374 : i32
      %add3A_377 = arith.constant 7 : i32
      %add3A_378 = arith.addi %add3A_376, %add3A_377 : i32
      %swap3A_379 = arith.index_cast %add3A_378 : i32 to index
      %swap3A_380 = arith.constant 0 : index
      %swap3A_381 = tpu.vector_load %arg7[%swap3A_379, %swap3A_380] {strides = array<i32>} : memref<512x128xf32, #tpu.memory_space<vmem>>, vector<1x16xf32>,
      %swap3A_382 = vector.shape_cast %swap3A_381 : vector<1x16xf32> to vector<16xf32>
      %swap3A_383 = vector.shape_cast %get3A_29 : vector<16xf32> to vector<1x16xf32>
      tpu.vector_store %arg7[%swap3A_379, %swap3A_380], %swap3A_383 {strides = array<i32>} : memref<512x128xf32, #tpu.memory_space<vmem>>, vector<1x16xf32>,
      %swap3A_384 = arith.index_cast %add3A_378 : i32 to index
      %swap3A_385 = arith.constant 16 : index
      %swap3A_386 = tpu.vector_load %arg7[%swap3A_384, %swap3A_385] {strides = array<i32>} : memref<512x128xf32, #tpu.memory_space<vmem>>, vector<1x16xf32>,
      %swap3A_387 = vector.shape_cast %swap3A_386 : vector<1x16xf32> to vector<16xf32>
      %swap3A_388 = vector.shape_cast %get3A_34 : vector<16xf32> to vector<1x16xf32>
      tpu.vector_store %arg7[%swap3A_384, %swap3A_385], %swap3A_388 {strides = array<i32>} : memref<512x128xf32, #tpu.memory_space<vmem>>, vector<1x16xf32>,
    }
    %scan3A_140 = arith.constant 16 : i32
    %add3A_141 = arith.constant 256 : i32
    %add3A_142 = arith.addi %mul3A_2, %add3A_141 : i32
    %dma_start3A_143 = arith.constant 256 : i32
    %dma_start3A_144 = arith.constant 0 : i32
    %dma_start3A_145 = tpu.memref_slice %arg7[%dma_start3A_143, %dma_start3A_144] : memref<512x128xf32, #tpu.memory_space<vmem>> -> memref<128x128xf32, #tpu.memory_space<vmem>>
    %dma_start3A_146 = arith.constant 0 : i32
    %dma_start3A_147 = tpu.memref_slice %arg5[%add3A_142, %dma_start3A_146] : memref<16384x128xf32, #tpu.memory_space<hbm>> -> memref<128x128xf32, #tpu.memory_space<hbm>>
    %dma_start3A_148 = arith.constant 0 : i32
    %dma_start3A_149 = tpu.memref_slice %arg5[%add3A_142, %dma_start3A_148] : memref<16384x128xf32, #tpu.memory_space<hbm>> -> memref<128x128xf32, #tpu.memory_space<hbm>>
    %dma_start3A_150 = arith.constant 256 : i32
    %dma_start3A_151 = arith.constant 0 : i32
    %dma_start3A_152 = tpu.memref_slice %arg7[%dma_start3A_150, %dma_start3A_151] : memref<512x128xf32, #tpu.memory_space<vmem>> -> memref<128x128xf32, #tpu.memory_space<vmem>>
    tpu.enqueue_dma source(%dma_start3A_152 : memref<128x128xf32, #tpu.memory_space<vmem>>) target(%dma_start3A_149 : memref<128x128xf32, #tpu.memory_space<hbm>>) target_semaphore(%arg10 : memref<!tpu.dma_semaphore, #tpu.memory_space<semaphore_mem>>)
    %dma_wait3A_153 = arith.constant 3 : i32
    %dma_wait3A_154 = arith.constant 384 : i32
    %dma_wait3A_155 = arith.constant 0 : i32
    %dma_wait3A_156 = tpu.memref_slice %arg7[%dma_wait3A_154, %dma_wait3A_155] : memref<512x128xf32, #tpu.memory_space<vmem>> -> memref<96x128xf32, #tpu.memory_space<vmem>>
    %dma_wait3A_157 = arith.constant 384 : i32
    %dma_wait3A_158 = tpu.memref_slice %arg6[%dma_wait3A_157] : memref<512xi32, #tpu.memory_space<vmem>> -> memref<96xi32, #tpu.memory_space<vmem>>
    %dma_wait3A_159 = arith.constant 0 : i32
    %dma_wait3A_160 = arith.constant 0 : i32
    %dma_wait3A_161 = tpu.memref_slice %arg2[%dma_wait3A_159, %dma_wait3A_160] : memref<100000x128xf32, #tpu.memory_space<hbm>> -> memref<100000x128xf32, #tpu.memory_space<hbm>>
    %dma_wait3A_162 = tpu.memref_slice %arg9[%dma_wait3A_153] : memref<5x!tpu.dma_semaphore, #tpu.memory_space<semaphore_mem>> -> memref<1x!tpu.dma_semaphore, #tpu.memory_space<semaphore_mem>>
    %dma_wait3A_163 = tpu.memref_squeeze %dma_wait3A_162 : memref<1x!tpu.dma_semaphore, #tpu.memory_space<semaphore_mem>> -> memref<!tpu.dma_semaphore, #tpu.memory_space<semaphore_mem>>
    tpu.wait_indirect_dma semaphore(%dma_wait3A_163 : memref<!tpu.dma_semaphore, #tpu.memory_space<semaphore_mem>>) src(%dma_wait3A_161 : memref<100000x128xf32, #tpu.memory_space<hbm>>) dst(%dma_wait3A_156 : memref<96x128xf32, #tpu.memory_space<vmem>>)
    %scan3A_164 = arith.constant 0 : i32
    %scan3A_165 = arith.constant 0 : i32
    %scan3A_166 = arith.constant 12 : i32
    %scan3A_167 = arith.addi %scan3A_165, %scan3A_166 : i32
    %scan3A_168 = arith.constant 1 : i32
    scf.for %scan3A_261 = %scan3A_165 to %scan3A_167 step %scan3A_168  : i32 {
      %mul3A_262 = arith.constant 8 : i32
      %mul3A_263 = arith.muli %scan3A_261, %mul3A_262 : i32
      %add3A_264 = arith.constant 384 : i32
      %add3A_265 = arith.addi %add3A_264, %mul3A_263 : i32
      %add3A_266 = arith.constant 0 : i32
      %add3A_267 = arith.addi %add3A_265, %add3A_266 : i32
      %swap3A = arith.index_cast %add3A_267 : i32 to index
      %swap3A_268 = arith.constant 0 : index
      %swap3A_269 = tpu.vector_load %arg7[%swap3A, %swap3A_268] {strides = array<i32>} : memref<512x128xf32, #tpu.memory_space<vmem>>, vector<1x16xf32>,
      %swap3A_270 = vector.shape_cast %swap3A_269 : vector<1x16xf32> to vector<16xf32>
      %swap3A_271 = vector.shape_cast %get3A_29 : vector<16xf32> to vector<1x16xf32>
      tpu.vector_store %arg7[%swap3A, %swap3A_268], %swap3A_271 {strides = array<i32>} : memref<512x128xf32, #tpu.memory_space<vmem>>, vector<1x16xf32>,
      %swap3A_272 = arith.index_cast %add3A_267 : i32 to index
      %swap3A_273 = arith.constant 16 : index
      %swap3A_274 = tpu.vector_load %arg7[%swap3A_272, %swap3A_273] {strides = array<i32>} : memref<512x128xf32, #tpu.memory_space<vmem>>, vector<1x16xf32>,
      %swap3A_275 = vector.shape_cast %swap3A_274 : vector<1x16xf32> to vector<16xf32>
      %swap3A_276 = vector.shape_cast %get3A_34 : vector<16xf32> to vector<1x16xf32>
      tpu.vector_store %arg7[%swap3A_272, %swap3A_273], %swap3A_276 {strides = array<i32>} : memref<512x128xf32, #tpu.memory_space<vmem>>, vector<1x16xf32>,
      %mul3A_277 = arith.constant 8 : i32
      %mul3A_278 = arith.muli %scan3A_261, %mul3A_277 : i32
      %add3A_279 = arith.constant 384 : i32
      %add3A_280 = arith.addi %add3A_279, %mul3A_278 : i32
      %add3A_281 = arith.constant 1 : i32
      %add3A_282 = arith.addi %add3A_280, %add3A_281 : i32
      %swap3A_283 = arith.index_cast %add3A_282 : i32 to index
      %swap3A_284 = arith.constant 0 : index
      %swap3A_285 = tpu.vector_load %arg7[%swap3A_283, %swap3A_284] {strides = array<i32>} : memref<512x128xf32, #tpu.memory_space<vmem>>, vector<1x16xf32>,
      %swap3A_286 = vector.shape_cast %swap3A_285 : vector<1x16xf32> to vector<16xf32>
      %swap3A_287 = vector.shape_cast %get3A_29 : vector<16xf32> to vector<1x16xf32>
      tpu.vector_store %arg7[%swap3A_283, %swap3A_284], %swap3A_287 {strides = array<i32>} : memref<512x128xf32, #tpu.memory_space<vmem>>, vector<1x16xf32>,
      %swap3A_288 = arith.index_cast %add3A_282 : i32 to index
      %swap3A_289 = arith.constant 16 : index
      %swap3A_290 = tpu.vector_load %arg7[%swap3A_288, %swap3A_289] {strides = array<i32>} : memref<512x128xf32, #tpu.memory_space<vmem>>, vector<1x16xf32>,
      %swap3A_291 = vector.shape_cast %swap3A_290 : vector<1x16xf32> to vector<16xf32>
      %swap3A_292 = vector.shape_cast %get3A_34 : vector<16xf32> to vector<1x16xf32>
      tpu.vector_store %arg7[%swap3A_288, %swap3A_289], %swap3A_292 {strides = array<i32>} : memref<512x128xf32, #tpu.memory_space<vmem>>, vector<1x16xf32>,
      %mul3A_293 = arith.constant 8 : i32
      %mul3A_294 = arith.muli %scan3A_261, %mul3A_293 : i32
      %add3A_295 = arith.constant 384 : i32
      %add3A_296 = arith.addi %add3A_295, %mul3A_294 : i32
      %add3A_297 = arith.constant 2 : i32
      %add3A_298 = arith.addi %add3A_296, %add3A_297 : i32
      %swap3A_299 = arith.index_cast %add3A_298 : i32 to index
      %swap3A_300 = arith.constant 0 : index
      %swap3A_301 = tpu.vector_load %arg7[%swap3A_299, %swap3A_300] {strides = array<i32>} : memref<512x128xf32, #tpu.memory_space<vmem>>, vector<1x16xf32>,
      %swap3A_302 = vector.shape_cast %swap3A_301 : vector<1x16xf32> to vector<16xf32>
      %swap3A_303 = vector.shape_cast %get3A_29 : vector<16xf32> to vector<1x16xf32>
      tpu.vector_store %arg7[%swap3A_299, %swap3A_300], %swap3A_303 {strides = array<i32>} : memref<512x128xf32, #tpu.memory_space<vmem>>, vector<1x16xf32>,
      %swap3A_304 = arith.index_cast %add3A_298 : i32 to index
      %swap3A_305 = arith.constant 16 : index
      %swap3A_306 = tpu.vector_load %arg7[%swap3A_304, %swap3A_305] {strides = array<i32>} : memref<512x128xf32, #tpu.memory_space<vmem>>, vector<1x16xf32>,
      %swap3A_307 = vector.shape_cast %swap3A_306 : vector<1x16xf32> to vector<16xf32>
      %swap3A_308 = vector.shape_cast %get3A_34 : vector<16xf32> to vector<1x16xf32>
      tpu.vector_store %arg7[%swap3A_304, %swap3A_305], %swap3A_308 {strides = array<i32>} : memref<512x128xf32, #tpu.memory_space<vmem>>, vector<1x16xf32>,
      %mul3A_309 = arith.constant 8 : i32
      %mul3A_310 = arith.muli %scan3A_261, %mul3A_309 : i32
      %add3A_311 = arith.constant 384 : i32
      %add3A_312 = arith.addi %add3A_311, %mul3A_310 : i32
      %add3A_313 = arith.constant 3 : i32
      %add3A_314 = arith.addi %add3A_312, %add3A_313 : i32
      %swap3A_315 = arith.index_cast %add3A_314 : i32 to index
      %swap3A_316 = arith.constant 0 : index
      %swap3A_317 = tpu.vector_load %arg7[%swap3A_315, %swap3A_316] {strides = array<i32>} : memref<512x128xf32, #tpu.memory_space<vmem>>, vector<1x16xf32>,
      %swap3A_318 = vector.shape_cast %swap3A_317 : vector<1x16xf32> to vector<16xf32>
      %swap3A_319 = vector.shape_cast %get3A_29 : vector<16xf32> to vector<1x16xf32>
      tpu.vector_store %arg7[%swap3A_315, %swap3A_316], %swap3A_319 {strides = array<i32>} : memref<512x128xf32, #tpu.memory_space<vmem>>, vector<1x16xf32>,
      %swap3A_320 = arith.index_cast %add3A_314 : i32 to index
      %swap3A_321 = arith.constant 16 : index
      %swap3A_322 = tpu.vector_load %arg7[%swap3A_320, %swap3A_321] {strides = array<i32>} : memref<512x128xf32, #tpu.memory_space<vmem>>, vector<1x16xf32>,
      %swap3A_323 = vector.shape_cast %swap3A_322 : vector<1x16xf32> to vector<16xf32>
      %swap3A_324 = vector.shape_cast %get3A_34 : vector<16xf32> to vector<1x16xf32>
      tpu.vector_store %arg7[%swap3A_320, %swap3A_321], %swap3A_324 {strides = array<i32>} : memref<512x128xf32, #tpu.memory_space<vmem>>, vector<1x16xf32>,
      %mul3A_325 = arith.constant 8 : i32
      %mul3A_326 = arith.muli %scan3A_261, %mul3A_325 : i32
      %add3A_327 = arith.constant 384 : i32
      %add3A_328 = arith.addi %add3A_327, %mul3A_326 : i32
      %add3A_329 = arith.constant 4 : i32
      %add3A_330 = arith.addi %add3A_328, %add3A_329 : i32
      %swap3A_331 = arith.index_cast %add3A_330 : i32 to index
      %swap3A_332 = arith.constant 0 : index
      %swap3A_333 = tpu.vector_load %arg7[%swap3A_331, %swap3A_332] {strides = array<i32>} : memref<512x128xf32, #tpu.memory_space<vmem>>, vector<1x16xf32>,
      %swap3A_334 = vector.shape_cast %swap3A_333 : vector<1x16xf32> to vector<16xf32>
      %swap3A_335 = vector.shape_cast %get3A_29 : vector<16xf32> to vector<1x16xf32>
      tpu.vector_store %arg7[%swap3A_331, %swap3A_332], %swap3A_335 {strides = array<i32>} : memref<512x128xf32, #tpu.memory_space<vmem>>, vector<1x16xf32>,
      %swap3A_336 = arith.index_cast %add3A_330 : i32 to index
      %swap3A_337 = arith.constant 16 : index
      %swap3A_338 = tpu.vector_load %arg7[%swap3A_336, %swap3A_337] {strides = array<i32>} : memref<512x128xf32, #tpu.memory_space<vmem>>, vector<1x16xf32>,
      %swap3A_339 = vector.shape_cast %swap3A_338 : vector<1x16xf32> to vector<16xf32>
      %swap3A_340 = vector.shape_cast %get3A_34 : vector<16xf32> to vector<1x16xf32>
      tpu.vector_store %arg7[%swap3A_336, %swap3A_337], %swap3A_340 {strides = array<i32>} : memref<512x128xf32, #tpu.memory_space<vmem>>, vector<1x16xf32>,
      %mul3A_341 = arith.constant 8 : i32
      %mul3A_342 = arith.muli %scan3A_261, %mul3A_341 : i32
      %add3A_343 = arith.constant 384 : i32
      %add3A_344 = arith.addi %add3A_343, %mul3A_342 : i32
      %add3A_345 = arith.constant 5 : i32
      %add3A_346 = arith.addi %add3A_344, %add3A_345 : i32
      %swap3A_347 = arith.index_cast %add3A_346 : i32 to index
      %swap3A_348 = arith.constant 0 : index
      %swap3A_349 = tpu.vector_load %arg7[%swap3A_347, %swap3A_348] {strides = array<i32>} : memref<512x128xf32, #tpu.memory_space<vmem>>, vector<1x16xf32>,
      %swap3A_350 = vector.shape_cast %swap3A_349 : vector<1x16xf32> to vector<16xf32>
      %swap3A_351 = vector.shape_cast %get3A_29 : vector<16xf32> to vector<1x16xf32>
      tpu.vector_store %arg7[%swap3A_347, %swap3A_348], %swap3A_351 {strides = array<i32>} : memref<512x128xf32, #tpu.memory_space<vmem>>, vector<1x16xf32>,
      %swap3A_352 = arith.index_cast %add3A_346 : i32 to index
      %swap3A_353 = arith.constant 16 : index
      %swap3A_354 = tpu.vector_load %arg7[%swap3A_352, %swap3A_353] {strides = array<i32>} : memref<512x128xf32, #tpu.memory_space<vmem>>, vector<1x16xf32>,
      %swap3A_355 = vector.shape_cast %swap3A_354 : vector<1x16xf32> to vector<16xf32>
      %swap3A_356 = vector.shape_cast %get3A_34 : vector<16xf32> to vector<1x16xf32>
      tpu.vector_store %arg7[%swap3A_352, %swap3A_353], %swap3A_356 {strides = array<i32>} : memref<512x128xf32, #tpu.memory_space<vmem>>, vector<1x16xf32>,
      %mul3A_357 = arith.constant 8 : i32
      %mul3A_358 = arith.muli %scan3A_261, %mul3A_357 : i32
      %add3A_359 = arith.constant 384 : i32
      %add3A_360 = arith.addi %add3A_359, %mul3A_358 : i32
      %add3A_361 = arith.constant 6 : i32
      %add3A_362 = arith.addi %add3A_360, %add3A_361 : i32
      %swap3A_363 = arith.index_cast %add3A_362 : i32 to index
      %swap3A_364 = arith.constant 0 : index
      %swap3A_365 = tpu.vector_load %arg7[%swap3A_363, %swap3A_364] {strides = array<i32>} : memref<512x128xf32, #tpu.memory_space<vmem>>, vector<1x16xf32>,
      %swap3A_366 = vector.shape_cast %swap3A_365 : vector<1x16xf32> to vector<16xf32>
      %swap3A_367 = vector.shape_cast %get3A_29 : vector<16xf32> to vector<1x16xf32>
      tpu.vector_store %arg7[%swap3A_363, %swap3A_364], %swap3A_367 {strides = array<i32>} : memref<512x128xf32, #tpu.memory_space<vmem>>, vector<1x16xf32>,
      %swap3A_368 = arith.index_cast %add3A_362 : i32 to index
      %swap3A_369 = arith.constant 16 : index
      %swap3A_370 = tpu.vector_load %arg7[%swap3A_368, %swap3A_369] {strides = array<i32>} : memref<512x128xf32, #tpu.memory_space<vmem>>, vector<1x16xf32>,
      %swap3A_371 = vector.shape_cast %swap3A_370 : vector<1x16xf32> to vector<16xf32>
      %swap3A_372 = vector.shape_cast %get3A_34 : vector<16xf32> to vector<1x16xf32>
      tpu.vector_store %arg7[%swap3A_368, %swap3A_369], %swap3A_372 {strides = array<i32>} : memref<512x128xf32, #tpu.memory_space<vmem>>, vector<1x16xf32>,
      %mul3A_373 = arith.constant 8 : i32
      %mul3A_374 = arith.muli %scan3A_261, %mul3A_373 : i32
      %add3A_375 = arith.constant 384 : i32
      %add3A_376 = arith.addi %add3A_375, %mul3A_374 : i32
      %add3A_377 = arith.constant 7 : i32
      %add3A_378 = arith.addi %add3A_376, %add3A_377 : i32
      %swap3A_379 = arith.index_cast %add3A_378 : i32 to index
      %swap3A_380 = arith.constant 0 : index
      %swap3A_381 = tpu.vector_load %arg7[%swap3A_379, %swap3A_380] {strides = array<i32>} : memref<512x128xf32, #tpu.memory_space<vmem>>, vector<1x16xf32>,
      %swap3A_382 = vector.shape_cast %swap3A_381 : vector<1x16xf32> to vector<16xf32>
      %swap3A_383 = vector.shape_cast %get3A_29 : vector<16xf32> to vector<1x16xf32>
      tpu.vector_store %arg7[%swap3A_379, %swap3A_380], %swap3A_383 {strides = array<i32>} : memref<512x128xf32, #tpu.memory_space<vmem>>, vector<1x16xf32>,
      %swap3A_384 = arith.index_cast %add3A_378 : i32 to index
      %swap3A_385 = arith.constant 16 : index
      %swap3A_386 = tpu.vector_load %arg7[%swap3A_384, %swap3A_385] {strides = array<i32>} : memref<512x128xf32, #tpu.memory_space<vmem>>, vector<1x16xf32>,
      %swap3A_387 = vector.shape_cast %swap3A_386 : vector<1x16xf32> to vector<16xf32>
      %swap3A_388 = vector.shape_cast %get3A_34 : vector<16xf32> to vector<1x16xf32>
      tpu.vector_store %arg7[%swap3A_384, %swap3A_385], %swap3A_388 {strides = array<i32>} : memref<512x128xf32, #tpu.memory_space<vmem>>, vector<1x16xf32>,
    }
    %scan3A_169 = arith.constant 12 : i32
    %add3A_170 = arith.constant 384 : i32
    %add3A_171 = arith.addi %mul3A_2, %add3A_170 : i32
    %dma_start3A_172 = arith.constant 384 : i32
    %dma_start3A_173 = arith.constant 0 : i32
    %dma_start3A_174 = tpu.memref_slice %arg7[%dma_start3A_172, %dma_start3A_173] : memref<512x128xf32, #tpu.memory_space<vmem>> -> memref<96x128xf32, #tpu.memory_space<vmem>>
    %dma_start3A_175 = arith.constant 0 : i32
    %dma_start3A_176 = tpu.memref_slice %arg5[%add3A_171, %dma_start3A_175] : memref<16384x128xf32, #tpu.memory_space<hbm>> -> memref<96x128xf32, #tpu.memory_space<hbm>>
    %dma_start3A_177 = arith.constant 0 : i32
    %dma_start3A_178 = tpu.memref_slice %arg5[%add3A_171, %dma_start3A_177] : memref<16384x128xf32, #tpu.memory_space<hbm>> -> memref<96x128xf32, #tpu.memory_space<hbm>>
    %dma_start3A_179 = arith.constant 384 : i32
    %dma_start3A_180 = arith.constant 0 : i32
    %dma_start3A_181 = tpu.memref_slice %arg7[%dma_start3A_179, %dma_start3A_180] : memref<512x128xf32, #tpu.memory_space<vmem>> -> memref<96x128xf32, #tpu.memory_space<vmem>>
    tpu.enqueue_dma source(%dma_start3A_181 : memref<96x128xf32, #tpu.memory_space<vmem>>) target(%dma_start3A_178 : memref<96x128xf32, #tpu.memory_space<hbm>>) target_semaphore(%arg10 : memref<!tpu.dma_semaphore, #tpu.memory_space<semaphore_mem>>)
    %dma_wait3A_182 = arith.constant 4 : i32
    %dma_wait3A_183 = arith.constant 480 : i32
    %dma_wait3A_184 = arith.constant 0 : i32
    %dma_wait3A_185 = tpu.memref_slice %arg7[%dma_wait3A_183, %dma_wait3A_184] : memref<512x128xf32, #tpu.memory_space<vmem>> -> memref<32x128xf32, #tpu.memory_space<vmem>>
    %dma_wait3A_186 = arith.constant 480 : i32
    %dma_wait3A_187 = tpu.memref_slice %arg6[%dma_wait3A_186] : memref<512xi32, #tpu.memory_space<vmem>> -> memref<32xi32, #tpu.memory_space<vmem>>
    %dma_wait3A_188 = arith.constant 0 : i32
    %dma_wait3A_189 = arith.constant 0 : i32
    %dma_wait3A_190 = tpu.memref_slice %arg2[%dma_wait3A_188, %dma_wait3A_189] : memref<100000x128xf32, #tpu.memory_space<hbm>> -> memref<100000x128xf32, #tpu.memory_space<hbm>>
    %dma_wait3A_191 = tpu.memref_slice %arg9[%dma_wait3A_182] : memref<5x!tpu.dma_semaphore, #tpu.memory_space<semaphore_mem>> -> memref<1x!tpu.dma_semaphore, #tpu.memory_space<semaphore_mem>>
    %dma_wait3A_192 = tpu.memref_squeeze %dma_wait3A_191 : memref<1x!tpu.dma_semaphore, #tpu.memory_space<semaphore_mem>> -> memref<!tpu.dma_semaphore, #tpu.memory_space<semaphore_mem>>
    tpu.wait_indirect_dma semaphore(%dma_wait3A_192 : memref<!tpu.dma_semaphore, #tpu.memory_space<semaphore_mem>>) src(%dma_wait3A_190 : memref<100000x128xf32, #tpu.memory_space<hbm>>) dst(%dma_wait3A_185 : memref<32x128xf32, #tpu.memory_space<vmem>>)
    %scan3A_193 = arith.constant 0 : i32
    %scan3A_194 = arith.constant 0 : i32
    %scan3A_195 = arith.constant 4 : i32
    %scan3A_196 = arith.addi %scan3A_194, %scan3A_195 : i32
    %scan3A_197 = arith.constant 1 : i32
    scf.for %scan3A_261 = %scan3A_194 to %scan3A_196 step %scan3A_197  : i32 {
      %mul3A_262 = arith.constant 8 : i32
      %mul3A_263 = arith.muli %scan3A_261, %mul3A_262 : i32
      %add3A_264 = arith.constant 480 : i32
      %add3A_265 = arith.addi %add3A_264, %mul3A_263 : i32
      %add3A_266 = arith.constant 0 : i32
      %add3A_267 = arith.addi %add3A_265, %add3A_266 : i32
      %swap3A = arith.index_cast %add3A_267 : i32 to index
      %swap3A_268 = arith.constant 0 : index
      %swap3A_269 = tpu.vector_load %arg7[%swap3A, %swap3A_268] {strides = array<i32>} : memref<512x128xf32, #tpu.memory_space<vmem>>, vector<1x16xf32>,
      %swap3A_270 = vector.shape_cast %swap3A_269 : vector<1x16xf32> to vector<16xf32>
      %swap3A_271 = vector.shape_cast %get3A_29 : vector<16xf32> to vector<1x16xf32>
      tpu.vector_store %arg7[%swap3A, %swap3A_268], %swap3A_271 {strides = array<i32>} : memref<512x128xf32, #tpu.memory_space<vmem>>, vector<1x16xf32>,
      %swap3A_272 = arith.index_cast %add3A_267 : i32 to index
      %swap3A_273 = arith.constant 16 : index
      %swap3A_274 = tpu.vector_load %arg7[%swap3A_272, %swap3A_273] {strides = array<i32>} : memref<512x128xf32, #tpu.memory_space<vmem>>, vector<1x16xf32>,
      %swap3A_275 = vector.shape_cast %swap3A_274 : vector<1x16xf32> to vector<16xf32>
      %swap3A_276 = vector.shape_cast %get3A_34 : vector<16xf32> to vector<1x16xf32>
      tpu.vector_store %arg7[%swap3A_272, %swap3A_273], %swap3A_276 {strides = array<i32>} : memref<512x128xf32, #tpu.memory_space<vmem>>, vector<1x16xf32>,
      %mul3A_277 = arith.constant 8 : i32
      %mul3A_278 = arith.muli %scan3A_261, %mul3A_277 : i32
      %add3A_279 = arith.constant 480 : i32
      %add3A_280 = arith.addi %add3A_279, %mul3A_278 : i32
      %add3A_281 = arith.constant 1 : i32
      %add3A_282 = arith.addi %add3A_280, %add3A_281 : i32
      %swap3A_283 = arith.index_cast %add3A_282 : i32 to index
      %swap3A_284 = arith.constant 0 : index
      %swap3A_285 = tpu.vector_load %arg7[%swap3A_283, %swap3A_284] {strides = array<i32>} : memref<512x128xf32, #tpu.memory_space<vmem>>, vector<1x16xf32>,
      %swap3A_286 = vector.shape_cast %swap3A_285 : vector<1x16xf32> to vector<16xf32>
      %swap3A_287 = vector.shape_cast %get3A_29 : vector<16xf32> to vector<1x16xf32>
      tpu.vector_store %arg7[%swap3A_283, %swap3A_284], %swap3A_287 {strides = array<i32>} : memref<512x128xf32, #tpu.memory_space<vmem>>, vector<1x16xf32>,
      %swap3A_288 = arith.index_cast %add3A_282 : i32 to index
      %swap3A_289 = arith.constant 16 : index
      %swap3A_290 = tpu.vector_load %arg7[%swap3A_288, %swap3A_289] {strides = array<i32>} : memref<512x128xf32, #tpu.memory_space<vmem>>, vector<1x16xf32>,
      %swap3A_291 = vector.shape_cast %swap3A_290 : vector<1x16xf32> to vector<16xf32>
      %swap3A_292 = vector.shape_cast %get3A_34 : vector<16xf32> to vector<1x16xf32>
      tpu.vector_store %arg7[%swap3A_288, %swap3A_289], %swap3A_292 {strides = array<i32>} : memref<512x128xf32, #tpu.memory_space<vmem>>, vector<1x16xf32>,
      %mul3A_293 = arith.constant 8 : i32
      %mul3A_294 = arith.muli %scan3A_261, %mul3A_293 : i32
      %add3A_295 = arith.constant 480 : i32
      %add3A_296 = arith.addi %add3A_295, %mul3A_294 : i32
      %add3A_297 = arith.constant 2 : i32
      %add3A_298 = arith.addi %add3A_296, %add3A_297 : i32
      %swap3A_299 = arith.index_cast %add3A_298 : i32 to index
      %swap3A_300 = arith.constant 0 : index
      %swap3A_301 = tpu.vector_load %arg7[%swap3A_299, %swap3A_300] {strides = array<i32>} : memref<512x128xf32, #tpu.memory_space<vmem>>, vector<1x16xf32>,
      %swap3A_302 = vector.shape_cast %swap3A_301 : vector<1x16xf32> to vector<16xf32>
      %swap3A_303 = vector.shape_cast %get3A_29 : vector<16xf32> to vector<1x16xf32>
      tpu.vector_store %arg7[%swap3A_299, %swap3A_300], %swap3A_303 {strides = array<i32>} : memref<512x128xf32, #tpu.memory_space<vmem>>, vector<1x16xf32>,
      %swap3A_304 = arith.index_cast %add3A_298 : i32 to index
      %swap3A_305 = arith.constant 16 : index
      %swap3A_306 = tpu.vector_load %arg7[%swap3A_304, %swap3A_305] {strides = array<i32>} : memref<512x128xf32, #tpu.memory_space<vmem>>, vector<1x16xf32>,
      %swap3A_307 = vector.shape_cast %swap3A_306 : vector<1x16xf32> to vector<16xf32>
      %swap3A_308 = vector.shape_cast %get3A_34 : vector<16xf32> to vector<1x16xf32>
      tpu.vector_store %arg7[%swap3A_304, %swap3A_305], %swap3A_308 {strides = array<i32>} : memref<512x128xf32, #tpu.memory_space<vmem>>, vector<1x16xf32>,
      %mul3A_309 = arith.constant 8 : i32
      %mul3A_310 = arith.muli %scan3A_261, %mul3A_309 : i32
      %add3A_311 = arith.constant 480 : i32
      %add3A_312 = arith.addi %add3A_311, %mul3A_310 : i32
      %add3A_313 = arith.constant 3 : i32
      %add3A_314 = arith.addi %add3A_312, %add3A_313 : i32
      %swap3A_315 = arith.index_cast %add3A_314 : i32 to index
      %swap3A_316 = arith.constant 0 : index
      %swap3A_317 = tpu.vector_load %arg7[%swap3A_315, %swap3A_316] {strides = array<i32>} : memref<512x128xf32, #tpu.memory_space<vmem>>, vector<1x16xf32>,
      %swap3A_318 = vector.shape_cast %swap3A_317 : vector<1x16xf32> to vector<16xf32>
      %swap3A_319 = vector.shape_cast %get3A_29 : vector<16xf32> to vector<1x16xf32>
      tpu.vector_store %arg7[%swap3A_315, %swap3A_316], %swap3A_319 {strides = array<i32>} : memref<512x128xf32, #tpu.memory_space<vmem>>, vector<1x16xf32>,
      %swap3A_320 = arith.index_cast %add3A_314 : i32 to index
      %swap3A_321 = arith.constant 16 : index
      %swap3A_322 = tpu.vector_load %arg7[%swap3A_320, %swap3A_321] {strides = array<i32>} : memref<512x128xf32, #tpu.memory_space<vmem>>, vector<1x16xf32>,
      %swap3A_323 = vector.shape_cast %swap3A_322 : vector<1x16xf32> to vector<16xf32>
      %swap3A_324 = vector.shape_cast %get3A_34 : vector<16xf32> to vector<1x16xf32>
      tpu.vector_store %arg7[%swap3A_320, %swap3A_321], %swap3A_324 {strides = array<i32>} : memref<512x128xf32, #tpu.memory_space<vmem>>, vector<1x16xf32>,
      %mul3A_325 = arith.constant 8 : i32
      %mul3A_326 = arith.muli %scan3A_261, %mul3A_325 : i32
      %add3A_327 = arith.constant 480 : i32
      %add3A_328 = arith.addi %add3A_327, %mul3A_326 : i32
      %add3A_329 = arith.constant 4 : i32
      %add3A_330 = arith.addi %add3A_328, %add3A_329 : i32
      %swap3A_331 = arith.index_cast %add3A_330 : i32 to index
      %swap3A_332 = arith.constant 0 : index
      %swap3A_333 = tpu.vector_load %arg7[%swap3A_331, %swap3A_332] {strides = array<i32>} : memref<512x128xf32, #tpu.memory_space<vmem>>, vector<1x16xf32>,
      %swap3A_334 = vector.shape_cast %swap3A_333 : vector<1x16xf32> to vector<16xf32>
      %swap3A_335 = vector.shape_cast %get3A_29 : vector<16xf32> to vector<1x16xf32>
      tpu.vector_store %arg7[%swap3A_331, %swap3A_332], %swap3A_335 {strides = array<i32>} : memref<512x128xf32, #tpu.memory_space<vmem>>, vector<1x16xf32>,
      %swap3A_336 = arith.index_cast %add3A_330 : i32 to index
      %swap3A_337 = arith.constant 16 : index
      %swap3A_338 = tpu.vector_load %arg7[%swap3A_336, %swap3A_337] {strides = array<i32>} : memref<512x128xf32, #tpu.memory_space<vmem>>, vector<1x16xf32>,
      %swap3A_339 = vector.shape_cast %swap3A_338 : vector<1x16xf32> to vector<16xf32>
      %swap3A_340 = vector.shape_cast %get3A_34 : vector<16xf32> to vector<1x16xf32>
      tpu.vector_store %arg7[%swap3A_336, %swap3A_337], %swap3A_340 {strides = array<i32>} : memref<512x128xf32, #tpu.memory_space<vmem>>, vector<1x16xf32>,
      %mul3A_341 = arith.constant 8 : i32
      %mul3A_342 = arith.muli %scan3A_261, %mul3A_341 : i32
      %add3A_343 = arith.constant 480 : i32
      %add3A_344 = arith.addi %add3A_343, %mul3A_342 : i32
      %add3A_345 = arith.constant 5 : i32
      %add3A_346 = arith.addi %add3A_344, %add3A_345 : i32
      %swap3A_347 = arith.index_cast %add3A_346 : i32 to index
      %swap3A_348 = arith.constant 0 : index
      %swap3A_349 = tpu.vector_load %arg7[%swap3A_347, %swap3A_348] {strides = array<i32>} : memref<512x128xf32, #tpu.memory_space<vmem>>, vector<1x16xf32>,
      %swap3A_350 = vector.shape_cast %swap3A_349 : vector<1x16xf32> to vector<16xf32>
      %swap3A_351 = vector.shape_cast %get3A_29 : vector<16xf32> to vector<1x16xf32>
      tpu.vector_store %arg7[%swap3A_347, %swap3A_348], %swap3A_351 {strides = array<i32>} : memref<512x128xf32, #tpu.memory_space<vmem>>, vector<1x16xf32>,
      %swap3A_352 = arith.index_cast %add3A_346 : i32 to index
      %swap3A_353 = arith.constant 16 : index
      %swap3A_354 = tpu.vector_load %arg7[%swap3A_352, %swap3A_353] {strides = array<i32>} : memref<512x128xf32, #tpu.memory_space<vmem>>, vector<1x16xf32>,
      %swap3A_355 = vector.shape_cast %swap3A_354 : vector<1x16xf32> to vector<16xf32>
      %swap3A_356 = vector.shape_cast %get3A_34 : vector<16xf32> to vector<1x16xf32>
      tpu.vector_store %arg7[%swap3A_352, %swap3A_353], %swap3A_356 {strides = array<i32>} : memref<512x128xf32, #tpu.memory_space<vmem>>, vector<1x16xf32>,
      %mul3A_357 = arith.constant 8 : i32
      %mul3A_358 = arith.muli %scan3A_261, %mul3A_357 : i32
      %add3A_359 = arith.constant 480 : i32
      %add3A_360 = arith.addi %add3A_359, %mul3A_358 : i32
      %add3A_361 = arith.constant 6 : i32
      %add3A_362 = arith.addi %add3A_360, %add3A_361 : i32
      %swap3A_363 = arith.index_cast %add3A_362 : i32 to index
      %swap3A_364 = arith.constant 0 : index
      %swap3A_365 = tpu.vector_load %arg7[%swap3A_363, %swap3A_364] {strides = array<i32>} : memref<512x128xf32, #tpu.memory_space<vmem>>, vector<1x16xf32>,
      %swap3A_366 = vector.shape_cast %swap3A_365 : vector<1x16xf32> to vector<16xf32>
      %swap3A_367 = vector.shape_cast %get3A_29 : vector<16xf32> to vector<1x16xf32>
      tpu.vector_store %arg7[%swap3A_363, %swap3A_364], %swap3A_367 {strides = array<i32>} : memref<512x128xf32, #tpu.memory_space<vmem>>, vector<1x16xf32>,
      %swap3A_368 = arith.index_cast %add3A_362 : i32 to index
      %swap3A_369 = arith.constant 16 : index
      %swap3A_370 = tpu.vector_load %arg7[%swap3A_368, %swap3A_369] {strides = array<i32>} : memref<512x128xf32, #tpu.memory_space<vmem>>, vector<1x16xf32>,
      %swap3A_371 = vector.shape_cast %swap3A_370 : vector<1x16xf32> to vector<16xf32>
      %swap3A_372 = vector.shape_cast %get3A_34 : vector<16xf32> to vector<1x16xf32>
      tpu.vector_store %arg7[%swap3A_368, %swap3A_369], %swap3A_372 {strides = array<i32>} : memref<512x128xf32, #tpu.memory_space<vmem>>, vector<1x16xf32>,
      %mul3A_373 = arith.constant 8 : i32
      %mul3A_374 = arith.muli %scan3A_261, %mul3A_373 : i32
      %add3A_375 = arith.constant 480 : i32
      %add3A_376 = arith.addi %add3A_375, %mul3A_374 : i32
      %add3A_377 = arith.constant 7 : i32
      %add3A_378 = arith.addi %add3A_376, %add3A_377 : i32
      %swap3A_379 = arith.index_cast %add3A_378 : i32 to index
      %swap3A_380 = arith.constant 0 : index
      %swap3A_381 = tpu.vector_load %arg7[%swap3A_379, %swap3A_380] {strides = array<i32>} : memref<512x128xf32, #tpu.memory_space<vmem>>, vector<1x16xf32>,
      %swap3A_382 = vector.shape_cast %swap3A_381 : vector<1x16xf32> to vector<16xf32>
      %swap3A_383 = vector.shape_cast %get3A_29 : vector<16xf32> to vector<1x16xf32>
      tpu.vector_store %arg7[%swap3A_379, %swap3A_380], %swap3A_383 {strides = array<i32>} : memref<512x128xf32, #tpu.memory_space<vmem>>, vector<1x16xf32>,
      %swap3A_384 = arith.index_cast %add3A_378 : i32 to index
      %swap3A_385 = arith.constant 16 : index
      %swap3A_386 = tpu.vector_load %arg7[%swap3A_384, %swap3A_385] {strides = array<i32>} : memref<512x128xf32, #tpu.memory_space<vmem>>, vector<1x16xf32>,
      %swap3A_387 = vector.shape_cast %swap3A_386 : vector<1x16xf32> to vector<16xf32>
      %swap3A_388 = vector.shape_cast %get3A_34 : vector<16xf32> to vector<1x16xf32>
      tpu.vector_store %arg7[%swap3A_384, %swap3A_385], %swap3A_388 {strides = array<i32>} : memref<512x128xf32, #tpu.memory_space<vmem>>, vector<1x16xf32>,
    }
    %scan3A_198 = arith.constant 4 : i32
    %add3A_199 = arith.constant 480 : i32
    %add3A_200 = arith.addi %mul3A_2, %add3A_199 : i32
    %dma_start3A_201 = arith.constant 480 : i32
    %dma_start3A_202 = arith.constant 0 : i32
    %dma_start3A_203 = tpu.memref_slice %arg7[%dma_start3A_201, %dma_start3A_202] : memref<512x128xf32, #tpu.memory_space<vmem>> -> memref<32x128xf32, #tpu.memory_space<vmem>>
    %dma_start3A_204 = arith.constant 0 : i32
    %dma_start3A_205 = tpu.memref_slice %arg5[%add3A_200, %dma_start3A_204] : memref<16384x128xf32, #tpu.memory_space<hbm>> -> memref<32x128xf32, #tpu.memory_space<hbm>>
    %dma_start3A_206 = arith.constant 0 : i32
    %dma_start3A_207 = tpu.memref_slice %arg5[%add3A_200, %dma_start3A_206] : memref<16384x128xf32, #tpu.memory_space<hbm>> -> memref<32x128xf32, #tpu.memory_space<hbm>>
    %dma_start3A_208 = arith.constant 480 : i32
    %dma_start3A_209 = arith.constant 0 : i32
    %dma_start3A_210 = tpu.memref_slice %arg7[%dma_start3A_208, %dma_start3A_209] : memref<512x128xf32, #tpu.memory_space<vmem>> -> memref<32x128xf32, #tpu.memory_space<vmem>>
    tpu.enqueue_dma source(%dma_start3A_210 : memref<32x128xf32, #tpu.memory_space<vmem>>) target(%dma_start3A_207 : memref<32x128xf32, #tpu.memory_space<hbm>>) target_semaphore(%arg10 : memref<!tpu.dma_semaphore, #tpu.memory_space<semaphore_mem>>)
    %dma_wait3A_211 = arith.constant 0 : i32
    %dma_wait3A_212 = arith.constant 0 : i32
    %dma_wait3A_213 = tpu.memref_slice %arg7[%dma_wait3A_211, %dma_wait3A_212] : memref<512x128xf32, #tpu.memory_space<vmem>> -> memref<128x128xf32, #tpu.memory_space<vmem>>
    %dma_wait3A_214 = arith.constant 0 : i32
    %dma_wait3A_215 = tpu.memref_slice %arg5[%add3A_62, %dma_wait3A_214] : memref<16384x128xf32, #tpu.memory_space<hbm>> -> memref<128x128xf32, #tpu.memory_space<hbm>>
    %dma_wait3A_216 = arith.constant 0 : i32
    %dma_wait3A_217 = tpu.memref_slice %arg5[%add3A_62, %dma_wait3A_216] : memref<16384x128xf32, #tpu.memory_space<hbm>> -> memref<128x128xf32, #tpu.memory_space<hbm>>
    %dma_wait3A_218 = arith.constant 0 : i32
    %dma_wait3A_219 = arith.constant 0 : i32
    %dma_wait3A_220 = tpu.memref_slice %arg7[%dma_wait3A_218, %dma_wait3A_219] : memref<512x128xf32, #tpu.memory_space<vmem>> -> memref<128x128xf32, #tpu.memory_space<vmem>>
    tpu.wait_dma2 semaphore(%arg10 : memref<!tpu.dma_semaphore, #tpu.memory_space<semaphore_mem>>) src(%dma_wait3A_220 : memref<128x128xf32, #tpu.memory_space<vmem>>) dst(%dma_wait3A_217 : memref<128x128xf32, #tpu.memory_space<hbm>>)
    %dma_wait3A_221 = arith.constant 128 : i32
    %dma_wait3A_222 = arith.constant 0 : i32
    %dma_wait3A_223 = tpu.memref_slice %arg7[%dma_wait3A_221, %dma_wait3A_222] : memref<512x128xf32, #tpu.memory_space<vmem>> -> memref<128x128xf32, #tpu.memory_space<vmem>>
    %dma_wait3A_224 = arith.constant 0 : i32
    %dma_wait3A_225 = tpu.memref_slice %arg5[%add3A_102, %dma_wait3A_224] : memref<16384x128xf32, #tpu.memory_space<hbm>> -> memref<128x128xf32, #tpu.memory_space<hbm>>
    %dma_wait3A_226 = arith.constant 0 : i32
    %dma_wait3A_227 = tpu.memref_slice %arg5[%add3A_102, %dma_wait3A_226] : memref<16384x128xf32, #tpu.memory_space<hbm>> -> memref<128x128xf32, #tpu.memory_space<hbm>>
    %dma_wait3A_228 = arith.constant 128 : i32
    %dma_wait3A_229 = arith.constant 0 : i32
    %dma_wait3A_230 = tpu.memref_slice %arg7[%dma_wait3A_228, %dma_wait3A_229] : memref<512x128xf32, #tpu.memory_space<vmem>> -> memref<128x128xf32, #tpu.memory_space<vmem>>
    tpu.wait_dma2 semaphore(%arg10 : memref<!tpu.dma_semaphore, #tpu.memory_space<semaphore_mem>>) src(%dma_wait3A_230 : memref<128x128xf32, #tpu.memory_space<vmem>>) dst(%dma_wait3A_227 : memref<128x128xf32, #tpu.memory_space<hbm>>)
    %dma_wait3A_231 = arith.constant 256 : i32
    %dma_wait3A_232 = arith.constant 0 : i32
    %dma_wait3A_233 = tpu.memref_slice %arg7[%dma_wait3A_231, %dma_wait3A_232] : memref<512x128xf32, #tpu.memory_space<vmem>> -> memref<128x128xf32, #tpu.memory_space<vmem>>
    %dma_wait3A_234 = arith.constant 0 : i32
    %dma_wait3A_235 = tpu.memref_slice %arg5[%add3A_142, %dma_wait3A_234] : memref<16384x128xf32, #tpu.memory_space<hbm>> -> memref<128x128xf32, #tpu.memory_space<hbm>>
    %dma_wait3A_236 = arith.constant 0 : i32
    %dma_wait3A_237 = tpu.memref_slice %arg5[%add3A_142, %dma_wait3A_236] : memref<16384x128xf32, #tpu.memory_space<hbm>> -> memref<128x128xf32, #tpu.memory_space<hbm>>
    %dma_wait3A_238 = arith.constant 256 : i32
    %dma_wait3A_239 = arith.constant 0 : i32
    %dma_wait3A_240 = tpu.memref_slice %arg7[%dma_wait3A_238, %dma_wait3A_239] : memref<512x128xf32, #tpu.memory_space<vmem>> -> memref<128x128xf32, #tpu.memory_space<vmem>>
    tpu.wait_dma2 semaphore(%arg10 : memref<!tpu.dma_semaphore, #tpu.memory_space<semaphore_mem>>) src(%dma_wait3A_240 : memref<128x128xf32, #tpu.memory_space<vmem>>) dst(%dma_wait3A_237 : memref<128x128xf32, #tpu.memory_space<hbm>>)
    %dma_wait3A_241 = arith.constant 384 : i32
    %dma_wait3A_242 = arith.constant 0 : i32
    %dma_wait3A_243 = tpu.memref_slice %arg7[%dma_wait3A_241, %dma_wait3A_242] : memref<512x128xf32, #tpu.memory_space<vmem>> -> memref<96x128xf32, #tpu.memory_space<vmem>>
    %dma_wait3A_244 = arith.constant 0 : i32
    %dma_wait3A_245 = tpu.memref_slice %arg5[%add3A_171, %dma_wait3A_244] : memref<16384x128xf32, #tpu.memory_space<hbm>> -> memref<96x128xf32, #tpu.memory_space<hbm>>
    %dma_wait3A_246 = arith.constant 0 : i32
    %dma_wait3A_247 = tpu.memref_slice %arg5[%add3A_171, %dma_wait3A_246] : memref<16384x128xf32, #tpu.memory_space<hbm>> -> memref<96x128xf32, #tpu.memory_space<hbm>>
    %dma_wait3A_248 = arith.constant 384 : i32
    %dma_wait3A_249 = arith.constant 0 : i32
    %dma_wait3A_250 = tpu.memref_slice %arg7[%dma_wait3A_248, %dma_wait3A_249] : memref<512x128xf32, #tpu.memory_space<vmem>> -> memref<96x128xf32, #tpu.memory_space<vmem>>
    tpu.wait_dma2 semaphore(%arg10 : memref<!tpu.dma_semaphore, #tpu.memory_space<semaphore_mem>>) src(%dma_wait3A_250 : memref<96x128xf32, #tpu.memory_space<vmem>>) dst(%dma_wait3A_247 : memref<96x128xf32, #tpu.memory_space<hbm>>)
    %dma_wait3A_251 = arith.constant 480 : i32
    %dma_wait3A_252 = arith.constant 0 : i32
    %dma_wait3A_253 = tpu.memref_slice %arg7[%dma_wait3A_251, %dma_wait3A_252] : memref<512x128xf32, #tpu.memory_space<vmem>> -> memref<32x128xf32, #tpu.memory_space<vmem>>
    %dma_wait3A_254 = arith.constant 0 : i32
    %dma_wait3A_255 = tpu.memref_slice %arg5[%add3A_200, %dma_wait3A_254] : memref<16384x128xf32, #tpu.memory_space<hbm>> -> memref<32x128xf32, #tpu.memory_space<hbm>>
    %dma_wait3A_256 = arith.constant 0 : i32
    %dma_wait3A_257 = tpu.memref_slice %arg5[%add3A_200, %dma_wait3A_256] : memref<16384x128xf32, #tpu.memory_space<hbm>> -> memref<32x128xf32, #tpu.memory_space<hbm>>
    %dma_wait3A_258 = arith.constant 480 : i32
    %dma_wait3A_259 = arith.constant 0 : i32
    %dma_wait3A_260 = tpu.memref_slice %arg7[%dma_wait3A_258, %dma_wait3A_259] : memref<512x128xf32, #tpu.memory_space<vmem>> -> memref<32x128xf32, #tpu.memory_space<vmem>>
    tpu.wait_dma2 semaphore(%arg10 : memref<!tpu.dma_semaphore, #tpu.memory_space<semaphore_mem>>) src(%dma_wait3A_260 : memref<32x128xf32, #tpu.memory_space<vmem>>) dst(%dma_wait3A_257 : memref<32x128xf32, #tpu.memory_space<hbm>>)
    return
  }
}

</mosaic_0001>

<sc_bundles>
// kernel: _run.3.cloned.1.call-start
scs
__scs_entry_jumppad:
0x0: {  	(pc) =	sbr.rel $0x88, $3  }
0x1: {  	(tag) =	ssettag $0x0;
	lr =	simm.s32 $0x1  }
0x2: {  	[smem:$0x3F9E] =	sst lr;
	_ =	strace $0xD0000000  }
0x3: {  	_ = 	snop  }
0x4: {  	_ = 	snop  }
0x5: {  	_ = 	snop  }
0x6: {  	_ = 	snop  }
0x7: {  	_ = 	snop  }
__scs_overlays_trampoline_lowered:
0x8: {  	[smem:$0x3FAD] =	sst s0  }
0x9: {  	[smem:$0x3FAE] =	sst s1  }
0xa: {  	[smem:$0x3FAF] =	sst s2  }
0xb: {  	[smem:$0x3FB0] =	sst s3  }
0xc: {  	[smem:$0x3FB1] =	sst s4  }
0xd: {  	[smem:$0x3FB2] =	sst s5  }
0xe: {  	[smem:$0x3FB3] =	sst s6  }
0xf: {  	[smem:$0x3FB4] =	sst s7  }
0x10: {  	[smem:$0x3FB5] =	sst s8  }
0x11: {  	[smem:$0x3FB6] =	sst s9;
	s0 =	simm.s32 @!p0 $0x0  }
0x12: {  	s1 =	sld [smem:$0x3F9C];
	s0 =	simm.s32 @p0 $0x1  }
0x13: {  	[smem:$0x3FB7] =	sst s0;
	s0 =	simm.s32 @!p1 $0x0  }
0x14: {  	s2 =	sld [smem:$0x3F9B];
	s0 =	simm.s32 @p1 $0x1  }
0x15: {  	[smem:$0x3FB8] =	sst s0;
	s0 =	simm.s32 @!p2 $0x0  }
0x16: {  	s3 =	sld [smem:$0x3FDB];
	s0 =	simm.s32 @p2 $0x1  }
0x17: {  	s4 =	simm.s32 $0x1BF5;
	[smem:$0x3FBA] =	sst s0  }
0x18: {  	s0 =	sld [smem:$0x3F9D];
	_ =	swait.ge [sflag:s4], $0x0  }
0x19: {  	s7 =	sld [smem:$0x3F9E]  }
0x1a: {  	s8 =	sadd.s32 $0xFFFFE003, lr  }
0x1b: {  	s9 =	sadd.s32 $0xFFFFFEF7, lr;
	s5 =	simm.s32 $0xFFFFFFFF;
	p2 =	slt.u32 s8, $0xFFFFF086  }
0x1c: {  	p1 =	slt.u32 s9, $0xF7A;
	s5 =	simm.s32 @!p2 $0x0  }
0x1d: {  	s5 =	simm.s32 @p1 $0x1;
	p0 =	seq.s32 s7, s2  }
0x1e: {  	s7 =	smul.u32 @!p0 $0xF7A, s2;
	p2 =	seq.s32 @!p0 s5, $0x0  }
0x1f: {  	s9 =	smul.u32 $0xF7A, s1;
	s8 =	simm.s32 @!p0 $0x1BF5;
	p2 =	por !p2, p0  }
0x20: {  	[sflag:s8] =	ssyncset.s32 @!p0 $0xFFFFF086;
	s6 =	sadd.s32 @!p0 s3, s7;
	s7 =	simm.s32 @!p0 $0x108  }
0x21: {  	s3 =	sadd.s32 s3, s9;
	s6 =	sadd.s32 @!p0 $0x88, s6;
	s7 =	simm.s32 @p2 $0x1082  }
0x22: {  	[simem:s7], [sflag:s8] =	dma.local @!p0 [hbm:s6], $0xF7A  }
0x23: {  	s9 =	sor.u32 $0xD0000000, s2;
	s6 =	simm.s32 $0x108;
	_ =	swait.ge @!p0 [sflag:s8], $0x0  }
0x24: {  	s3 =	sadd.s32 $0x88, s3;
	s6 =	simm.s32 @!p1 $0x1082;
	[sflag:s4] =	ssyncset.s32 $0xFFFFF086  }
0x25: {  	[simem:s6], [sflag:s4] =	dma.local [hbm:s3], $0xF7A  }
0x26: {  	[smem:$0x3F9E] =	sst s1;
	(tag) =	ssettag s2;
	_ =	strace s9  }
0x27: {  	s1 =	sld [smem:$0x3FAE]  }
0x28: {  	s2 =	sld [smem:$0x3FAF]  }
0x29: {  	s4 =	sld [smem:$0x3FB1]  }
0x2a: {  	p0 =	seq.s32 s5, $0x0;
	s5 =	sld [smem:$0x3FB2]  }
0x2b: {  	s6 =	sld [smem:$0x3FB3]  }
0x2c: {  	s7 =	sld [smem:$0x3FB4]  }
0x2d: {  	s3 =	simm.s32 $0x108;
	s8 =	sld [smem:$0x3FB5]  }
0x2e: {  	s3 =	simm.s32 @!p0 $0x1082;
	s9 =	sld [smem:$0x3FB6]  }
0x2f: {  	lr =	sadd.s32 s0, s3;
	s0 =	sld [smem:$0x3FAD]  }
0x30: {  	s3 =	sld [smem:$0x3FB0]  }
0x31: {  	[smem:$0x3FB9] =	sst s10  }
0x32: {  	s10 =	sld [smem:$0x3FB7];
	_ =	sdelay $0x3  }
0x33: {  	p0 =	seq.s32 s10, $0x1;
	s10 =	sld [smem:$0x3FB9];
	_ =	sdelay $0x3  }
0x34: {  	[smem:$0x3FB9] =	sst s10  }
0x35: {  	s10 =	sld [smem:$0x3FB8];
	_ =	sdelay $0x3  }
0x36: {  	p1 =	seq.s32 s10, $0x1;
	s10 =	sld [smem:$0x3FB9];
	_ =	sdelay $0x3  }
0x37: {  	[smem:$0x3FB9] =	sst s10  }
0x38: {  	s10 =	sld [smem:$0x3FBA]  }
0x39: {  	_ = 	snop;
	(pc) =	sbr.ind lr, $3  }
0x3a: {  	_ = 	snop  }
0x3b: {  	_ = 	snop  }
0x3c: {  	p2 =	seq.s32 s10, $0x1;
	s10 =	sld [smem:$0x3FB9]  }
0x3d: {  	_ =	shalt  }
0x3e: {  	_ =	shalt  }
0x3f: {  	_ =	shalt  }
0x40: {  	_ =	shalt  }
0x41: {  	_ =	shalt  }
0x42: {  	_ =	shalt  }
0x43: {  	_ =	shalt  }
0x44: {  	_ =	shalt  }
0x45: {  	_ =	shalt  }
0x46: {  	_ =	shalt  }
0x47: {  	_ =	shalt  }
0x48: {  	_ =	shalt  }
0x49: {  	_ =	shalt  }
0x4a: {  	_ =	shalt  }
0x4b: {  	_ =	shalt  }
0x4c: {  	_ =	shalt  }
0x4d: {  	_ =	shalt  }
0x4e: {  	_ =	shalt  }
0x4f: {  	_ =	shalt  }
0x50: {  	_ =	shalt  }
0x51: {  	_ =	shalt  }
0x52: {  	_ =	shalt  }
0x53: {  	_ =	shalt  }
0x54: {  	_ =	shalt  }
0x55: {  	_ =	shalt  }
0x56: {  	_ =	shalt  }
0x57: {  	_ =	shalt  }
0x58: {  	_ =	shalt  }
0x59: {  	_ =	shalt  }
0x5a: {  	_ =	shalt  }
0x5b: {  	_ =	shalt  }
0x5c: {  	_ =	shalt  }
0x5d: {  	_ =	shalt  }
0x5e: {  	_ =	shalt  }
0x5f: {  	_ =	shalt  }
0x60: {  	_ =	shalt  }
0x61: {  	_ =	shalt  }
0x62: {  	_ =	shalt  }
0x63: {  	_ =	shalt  }
0x64: {  	_ =	shalt  }
0x65: {  	_ =	shalt  }
0x66: {  	_ =	shalt  }
0x67: {  	_ =	shalt  }
0x68: {  	_ =	shalt  }
0x69: {  	_ =	shalt  }
0x6a: {  	_ =	shalt  }
0x6b: {  	_ =	shalt  }
0x6c: {  	_ =	shalt  }
0x6d: {  	_ =	shalt  }
0x6e: {  	_ =	shalt  }
0x6f: {  	_ =	shalt  }
0x70: {  	_ =	shalt  }
0x71: {  	_ =	shalt  }
0x72: {  	_ =	shalt  }
0x73: {  	_ =	shalt  }
0x74: {  	_ =	shalt  }
0x75: {  	_ =	shalt  }
0x76: {  	_ =	shalt  }
0x77: {  	_ =	shalt  }
0x78: {  	_ =	shalt  }
0x79: {  	_ =	shalt  }
0x7a: {  	_ =	shalt  }
0x7b: {  	_ =	shalt  }
0x7c: {  	_ =	shalt  }
0x7d: {  	_ =	shalt  }
0x7e: {  	_ =	shalt  }
0x7f: {  	_ =	shalt  }
0x80: {  	_ =	shalt  }
0x81: {  	_ =	shalt  }
0x82: {  	_ =	shalt  }
0x83: {  	_ =	shalt  }
0x84: {  	_ =	shalt  }
0x85: {  	_ =	shalt  }
0x86: {  	_ =	shalt  }
0x87: {  	_ =	shalt  }
.Lfunc_end0:
.L_simem_size_0:
called_computation_lowered:
.L_overlay_start_0:
0x88: {  	s2 =	sld [smem:$0x3FD9]  }
0x89: {  	s3 =	sld [smem:$0x3FFE];
	_ =	sdelay $0x1  }
0x8a: {  	s1 =	srdreg.scid  }
0x8b: {  	s0 =	sand.u32 $0x1, s1  }
0x8c: {  	s18 =	sshll.u32 s0, $0xA;
	s2 =	sadd.s32 s3, s2  }
0x8d: {  	s2 =	sadd.s32 s2, s18  }
0x8e: {  	[smem:$0x3FC5] =	sst s2  }
0x8f: {  	_ = 	snop  }
0x90: {  	s2 =	sld [smem:$0x3FC9]  }
0x91: {  	s19 =	sld [smem:$0x3FC8]  }
0x92: {  	s4 =	sld [smem:$0x3FC7]  }
0x93: {  	s5 =	sld [smem:$0x3FD0];
	(tm) =	ssettm $0x1  }
0x94: {  	s6 =	sld [smem:$0x3FFB];
	_ =	sdelay $0x3  }
0x95: {  	_ =	strace s6  }
0x96: {  	s6 =	sld [smem:$0x3FFC];
	_ =	sdelay $0x3  }
0x97: {  	_ =	strace s6  }
0x98: {  	s6 =	sld [smem:$0x3FFD];
	_ =	sdelay $0x3  }
0x99: {  	_ =	strace s6  }
0x9a: {  	_ =	strace $0x8FFFFFFF  }
0x9b: {  	s20 =	sld [smem:$0x3FDB];
	_ =	sdelay $0x1  }
0x9c: {  	s7 =	simm.s32 $_scs_section_size  }
0x9d: {  	s8 =	simm.s32 $_size__tile_overlayer_lowered;
	s9 =	simm.s32 $_tile_overlayer_lowered  }
0x9e: {  	s23 =	simm.s32 $0x1BFF;
	s22 =	sshll.u32 s9, $0x1;
	s6 =	sadd.s32 s7, s20  }
0x9f: {  	s10 =	simm.s32 $0x0;
	s21 =	sshll.u32 s8, $0x1;
	s8 =	sadd.s32 s22, s6  }
0xa0: {  	[timem:s10], [sflag:s23] =	dma.local [hbm:s8], s21  }
0xa1: {  	_ =	swait.ge [sflag:s23], s21  }
0xa2: {  	s7 =	ssub.s32 $0x0, s21;
	[sflag:s23] =	ssyncset.done $0x0  }
0xa3: {  	[sflag:s23] =	ssyncadd.s32 s7;
	_ =	sdelay $0x1  }
0xa4: {  	s24 =	simm.s32 $0x1B8B  }
0xa5: {  	_ =	swait.ge [sflag:s24], $0x1  }
0xa6: {  	[sflag:s24] =	ssyncset.done $0x0  }
0xa7: {  	s25 =	simm.s32 $0x1B8E;
	[sflag:s24] =	ssyncadd.s32 $0xFFFFFFFF  }
0xa8: {  	s26 =	simm.s32 $execute0_lowered;
	[smem:$0x3FD2] =	sst s25  }
0xa9: {  	s7 =	sshll.u32 s26, $0x1;
	_ =	strace $0x80000046;
	[dreg:$0x1] =	wrdreg $0xFFFFFFFF  }
0xaa: {  	s28 =	simm.s32 $_size_execute0_lowered;
	s6 =	sadd.s32 s6, s7;
	[dreg:$0x0] =	wrdreg $0x0  }
0xab: {  	s7 =	sshll.u32 s28, $0x1;
	[dreg:$0x2] =	wrdreg s6  }
0xac: {  	[dreg:$0x3] =	wrdreg s7  }
0xad: {  	[dreg:$0x4] =	wrdreg $0xC0  }
0xae: {  	_ =	task [dreg:s10], $0x5FFFF  }
0xaf: {  	[dreg:$0x1] =	wrdreg $0xFFFFFFFF  }
0xb0: {  	[dreg:$0x0] =	wrdreg $0x60  }
0xb1: {  	[dreg:$0x2] =	wrdreg s19  }
0xb2: {  	[dreg:$0x3] =	wrdreg s2  }
0xb3: {  	[dreg:$0x4] =	wrdreg s4  }
0xb4: {  	[dreg:$0x5] =	wrdreg s5  }
0xb5: {  	[dreg:$0x6] =	wrdreg $0x9  }
0xb6: {  	_ =	task.clear_ibuf [dreg:s10], $0x7FFFF;
	_ =	strace $0x90000046  }
0xb7: {  	s29 =	simm.s32 $0x9;
	_ =	strace $0x80000048  }
0xb8: {  	_ =	swait.ge [sflag:s29], $0x1  }
0xb9: {  	[sflag:s29] =	ssyncadd.s32 $0xFFFFFFFF  }
0xba: {  	_ =	strace $0x90000048  }
0xbb: {  	_ =	sfence  }
0xbc: {  	s30 =	sld [smem:$0x0];
	_ =	sdelay $0x2  }
0xbd: {  	s31 =	sshll.u32 s1, $0xD;
	s1 =	sshrl.u32 s1, $0x2  }
0xbe: {  	s3 =	sand.u32 $0x4000, s31;
	s1 =	sadd.s32 s1, s30  }
0xbf: {  	s0 =	sor.u32 s3, s0;
	s1 =	sshll.u32 s1, $0x11  }
0xc0: {  	s0 =	sor.u32 s1, s0  }
0xc1: {  	s0 =	sadd.s32 $0x8F2B, s0  }
0xc2: {  	[sflag:s0] =	ssyncadd.remote.s32 $0x1  }
0xc3: {  	_ =	sfence.sel $0xFFFF  }
0xc4: {  	[dreg:$0x0] =	wrdreg $0xFFFFFFFF;
	(pc) =	sbr.abs _section_cstart, $3  }
0xc5: {  	[dreg:$0x1] =	wrdreg $0xFFFFFFFF  }
0xc6: {  	_ =	task.clear_ibuf [dreg:s10], $0x2FFFF;
	_ =	strace $0x9FFFFFFF  }
0xc7: {  	(tm) =	ssettm $0x7FFFFFFF  }
tec
execute0_lowered:
.L_overlay_start_1:
0x0: {  	(tag) =	ssettag $0x1  }
0x1: {  	s1 =	rddreg [dreg:$0x0]  }
0x2: {  	s0 =	rddreg [dreg:$0x1]  }
0x3: {  	s2 =	rddreg [dreg:$0x3]  }
0x4: {  	s3 =	srdreg.scid;
	s5 =	stileid.u32  }
0x5: {  	s4 =	simm.s32 $0x0;
	s13 =	simm.s32 $0x7;
	s14 =	simm.s32 $0x80  }
0x6: {  	s15 =	simm.s32 $0x200;
	s16 =	simm.s32 $0x4200;
	s18 =	simm.s32 $0x1  }
0x7: {  	s19 =	simm.s32 $0x100;
	s20 =	simm.s32 $0x8200;
	s21 =	simm.s32 $0x2  }
0x8: {  	s22 =	simm.s32 $0x60;
	s23 =	simm.s32 $0x180;
	s24 =	simm.s32 $0xC200  }
0x9: {  	s28 =	simm.s32 $0x1E0;
	s29 =	simm.s32 $0xF200;
	s30 =	simm.s32 $0x4  }
0xa: {  	s31 =	simm.s32 $0x5;
	s3 =	sand.u32 $0x1, s3;
	s5 =	sshll.u32 s5, $0xA  }
0xb: {  	[smem:$0x7FF] =	sst s4;
	s6 =	sshll.u32 s3, $0x9;
	s3 =	ssub.s32 $0x2, s3  }
0xc: {  	_ =	strace $0x80000047;
	s6 =	sor.u32 s6, s5;
	s25 =	sshrl.u32 s3, $0x1  }
0xd: {  	s7 =	sshrl.u32 s6, $0x3;
	s3 =	ssub.s32 s3, s25;
	s26 =	sor.u32 $0x80, s6  }
0xe: {  	s9 =	sshll.u32 s6, $0x4;
	s25 =	simm.s32 $0x3;
	s5 =	sadd.s32 s0, s7  }
0xf: {  	s8 =	sshrl.u32 s26, $0x3;
	s10 =	sshll.u32 s26, $0x4;
	s7 =	sadd.s32 s2, s9  }
0x10: {  	s12 =	smax.u32 s3, $0x1;
	s26 =	simm.s32 $0x20;
	s6 =	sadd.s32 s0, s8  }
0x11: {  	s8 =	sadd.s32 s2, s10;
	s9 =	sadd.s32 $0x1000, s7;
	s10 =	sadd.s32 $0x1800, s7  }
0x12: {  	s11 =	sadd.s32 $0x1E00, s7;
	s0 =	simm.s32 $0x6;
	s2 =	simm.s32 $0x0  }
.LBB2_1:
0x13: {  	[tilespmem:s4], [sflag:$0x7] =	stream.linear.gather [hbm4b:s5+s4], $0x80, $0x38;
	[tilespmem:$0x10280] =	vst v63  }
0x14: {  	_ =	swait.ge [sflag:s13], $0x80  }
0x15: {  	[sflag:s13] =	ssyncset.done $0x0  }
0x16: {  	[sflag:s13] =	ssyncadd.s32 $0xFFFFFF80  }
0x17: {  	[tilespmem:s15], [sflag:$0x1] =	stream.indirect.gather [hbm4b:s1+s14], $0x80, s4, s14, $0xb8;
	[tilespmem:$0x10280] =	vst v63  }
0x18: {  	_ = 	snop  }
0x19: {  	[tilespmem:s14], [sflag:$0x7] =	stream.linear.gather [hbm4b:s6+s4], $0x180, $0x38;
	[tilespmem:$0x10280] =	vst v63  }
0x1a: {  	_ =	swait.ge [sflag:s13], $0x180  }
0x1b: {  	[sflag:s13] =	ssyncset.done $0x0  }
0x1c: {  	[sflag:s13] =	ssyncadd.s32 $0xFFFFFE80  }
0x1d: {  	[tilespmem:s16], [sflag:$0x2] =	stream.indirect.gather [hbm4b:s1+s14], $0x80, s14, s14, $0xb8;
	[tilespmem:$0x10280] =	vst v63  }
0x1e: {  	s17 =	simm.s32 $0x10200;
	s3 =	rddreg [dreg:$0x2]  }
0x1f: {  	[tilespmem:s17], [sflag:$0x7] =	stream.linear.gather [hbm4b:s3+s4], $0x80, $0x38;
	[tilespmem:$0x10280] =	vst v63  }
0x20: {  	_ =	swait.ge [sflag:s13], $0x80  }
0x21: {  	[sflag:s13] =	ssyncset.done $0x0  }
0x22: {  	[sflag:s13] =	ssyncadd.s32 $0xFFFFFF80  }
0x23: {  	v1 =	vld [tilespmem:$0x10210]  }
0x24: {  	v0 =	vld [tilespmem:$0x10200];
	_ =	swait.ge [sflag:s18], $0x4000  }
0x25: {  	[sflag:s18] =	ssyncset.done $0x0  }
0x26: {  	s3 =	simm.s32 $0x0;
	s17 =	simm.s32 $0x1000;
	[sflag:s18] =	ssyncadd.s32 $0xFFFFC000  }
0x27: {  	[tilespmem:s20], [sflag:$0x3] =	stream.indirect.gather [hbm4b:s1+s14], $0x80, s19, s14, $0xb8;
	[tilespmem:$0x10280] =	vst v63  }
.LBB2_2:
0x28: {  	p0 =	sne.s32 s17, $0xF000;
	[tilespmem:s3+$0x590] =	vst v1  }
0x29: {  	[tilespmem:s3+$0x200] =	vst v0  }
0x2a: {  	[tilespmem:s3+$0x210] =	vst v1  }
0x2b: {  	[tilespmem:s3+$0x280] =	vst v0  }
0x2c: {  	[tilespmem:s3+$0x290] =	vst v1  }
0x2d: {  	[tilespmem:s3+$0x300] =	vst v0  }
0x2e: {  	[tilespmem:s3+$0x310] =	vst v1  }
0x2f: {  	[tilespmem:s3+$0x380] =	vst v0  }
0x30: {  	[tilespmem:s3+$0x390] =	vst v1  }
0x31: {  	[tilespmem:s3+$0x400] =	vst v0  }
0x32: {  	[tilespmem:s3+$0x410] =	vst v1  }
.Ltmp0:
0x33: {  	[tilespmem:s3+$0x480] =	vst v0;
	(pc) =	sbr.rel @p0 .LBB2_2-.Ltmp0, $4  }
0x34: {  	[tilespmem:s3+$0x490] =	vst v1  }
0x35: {  	[tilespmem:s3+$0x500] =	vst v0  }
0x36: {  	[tilespmem:s3+$0x510] =	vst v1  }
0x37: {  	[tilespmem:s3+$0x580] =	vst v0;
	s3 =	sshra.s32 s17, $0x2;
	s17 =	sadd.s32 $0x1000, s17  }
0x38: {  	[tilespmem:s3+$0x590] =	vst v1  }
0x39: {  	[tilespmem:s3+$0x200] =	vst v0  }
0x3a: {  	[tilespmem:s3+$0x210] =	vst v1  }
0x3b: {  	[tilespmem:s3+$0x280] =	vst v0  }
0x3c: {  	[tilespmem:s3+$0x290] =	vst v1  }
0x3d: {  	[tilespmem:s3+$0x300] =	vst v0  }
0x3e: {  	[tilespmem:s3+$0x310] =	vst v1  }
0x3f: {  	[tilespmem:s3+$0x380] =	vst v0  }
0x40: {  	[tilespmem:s3+$0x390] =	vst v1  }
0x41: {  	[tilespmem:s3+$0x400] =	vst v0  }
0x42: {  	[tilespmem:s3+$0x410] =	vst v1  }
0x43: {  	[tilespmem:s3+$0x480] =	vst v0  }
0x44: {  	[tilespmem:s3+$0x490] =	vst v1  }
0x45: {  	[tilespmem:s3+$0x500] =	vst v0  }
0x46: {  	[tilespmem:s3+$0x510] =	vst v1  }
0x47: {  	[tilespmem:s3+$0x580] =	vst v0;
	s17 =	simm.s32 $0x0  }
0x48: {  	[hbm4b:s7+s17] =	stream.linear.scatter [tilespmem:s15], [sflag:$0x6], $0x4000, $0x38;
	[tilespmem:$0x10280] =	vst v63  }
0x49: {  	_ =	swait.ge [sflag:s21], $0x4000  }
0x4a: {  	[sflag:s21] =	ssyncset.done $0x0  }
0x4b: {  	s3 =	simm.s32 $0x0;
	s17 =	simm.s32 $0x1000;
	[sflag:s21] =	ssyncadd.s32 $0xFFFFC000  }
0x4c: {  	[tilespmem:s24], [sflag:$0x4] =	stream.indirect.gather [hbm4b:s1+s22], $0x80, s23, s22, $0xb8;
	[tilespmem:$0x10280] =	vst v63  }
.LBB2_4:
0x4d: {  	p0 =	sne.s32 s17, $0xF000;
	[tilespmem:s3+$0x4590] =	vst v1  }
0x4e: {  	[tilespmem:s3+$0x4200] =	vst v0  }
0x4f: {  	[tilespmem:s3+$0x4210] =	vst v1  }
0x50: {  	[tilespmem:s3+$0x4280] =	vst v0  }
0x51: {  	[tilespmem:s3+$0x4290] =	vst v1  }
0x52: {  	[tilespmem:s3+$0x4300] =	vst v0  }
0x53: {  	[tilespmem:s3+$0x4310] =	vst v1  }
0x54: {  	[tilespmem:s3+$0x4380] =	vst v0  }
0x55: {  	[tilespmem:s3+$0x4390] =	vst v1  }
0x56: {  	[tilespmem:s3+$0x4400] =	vst v0  }
0x57: {  	[tilespmem:s3+$0x4410] =	vst v1  }
.Ltmp1:
0x58: {  	[tilespmem:s3+$0x4480] =	vst v0;
	(pc) =	sbr.rel @p0 .LBB2_4-.Ltmp1, $4  }
0x59: {  	[tilespmem:s3+$0x4490] =	vst v1  }
0x5a: {  	[tilespmem:s3+$0x4500] =	vst v0  }
0x5b: {  	[tilespmem:s3+$0x4510] =	vst v1  }
0x5c: {  	[tilespmem:s3+$0x4580] =	vst v0;
	s3 =	sshra.s32 s17, $0x2;
	s17 =	sadd.s32 $0x1000, s17  }
0x5d: {  	[tilespmem:s3+$0x4590] =	vst v1  }
0x5e: {  	[tilespmem:s3+$0x4200] =	vst v0  }
0x5f: {  	[tilespmem:s3+$0x4210] =	vst v1  }
0x60: {  	[tilespmem:s3+$0x4280] =	vst v0  }
0x61: {  	[tilespmem:s3+$0x4290] =	vst v1  }
0x62: {  	[tilespmem:s3+$0x4300] =	vst v0  }
0x63: {  	[tilespmem:s3+$0x4310] =	vst v1  }
0x64: {  	[tilespmem:s3+$0x4380] =	vst v0  }
0x65: {  	[tilespmem:s3+$0x4390] =	vst v1  }
0x66: {  	[tilespmem:s3+$0x4400] =	vst v0  }
0x67: {  	[tilespmem:s3+$0x4410] =	vst v1  }
0x68: {  	[tilespmem:s3+$0x4480] =	vst v0  }
0x69: {  	[tilespmem:s3+$0x4490] =	vst v1  }
0x6a: {  	[tilespmem:s3+$0x4500] =	vst v0  }
0x6b: {  	[tilespmem:s3+$0x4510] =	vst v1  }
0x6c: {  	[tilespmem:s3+$0x4580] =	vst v0;
	s17 =	simm.s32 $0x0  }
0x6d: {  	[hbm4b:s8+s17] =	stream.linear.scatter [tilespmem:s16], [sflag:$0x6], $0x4000, $0x38;
	[tilespmem:$0x10280] =	vst v63  }
0x6e: {  	_ =	swait.ge [sflag:s25], $0x4000  }
0x6f: {  	[sflag:s25] =	ssyncset.done $0x0  }
0x70: {  	s3 =	simm.s32 $0x0;
	s17 =	simm.s32 $0x1000;
	[sflag:s25] =	ssyncadd.s32 $0xFFFFC000  }
0x71: {  	[tilespmem:s29], [sflag:$0x5] =	stream.indirect.gather [hbm4b:s1+s26], $0x80, s28, s26, $0xb8;
	[tilespmem:$0x10280] =	vst v63  }
.LBB2_6:
0x72: {  	p0 =	sne.s32 s17, $0xF000;
	[tilespmem:s3+$0x8590] =	vst v1  }
0x73: {  	[tilespmem:s3+$0x8200] =	vst v0  }
0x74: {  	[tilespmem:s3+$0x8210] =	vst v1  }
0x75: {  	[tilespmem:s3+$0x8280] =	vst v0  }
0x76: {  	[tilespmem:s3+$0x8290] =	vst v1  }
0x77: {  	[tilespmem:s3+$0x8300] =	vst v0  }
0x78: {  	[tilespmem:s3+$0x8310] =	vst v1  }
0x79: {  	[tilespmem:s3+$0x8380] =	vst v0  }
0x7a: {  	[tilespmem:s3+$0x8390] =	vst v1  }
0x7b: {  	[tilespmem:s3+$0x8400] =	vst v0  }
0x7c: {  	[tilespmem:s3+$0x8410] =	vst v1  }
.Ltmp2:
0x7d: {  	[tilespmem:s3+$0x8480] =	vst v0;
	(pc) =	sbr.rel @p0 .LBB2_6-.Ltmp2, $4  }
0x7e: {  	[tilespmem:s3+$0x8490] =	vst v1  }
0x7f: {  	[tilespmem:s3+$0x8500] =	vst v0  }
0x80: {  	[tilespmem:s3+$0x8510] =	vst v1  }
0x81: {  	[tilespmem:s3+$0x8580] =	vst v0;
	s3 =	sshra.s32 s17, $0x2;
	s17 =	sadd.s32 $0x1000, s17  }
0x82: {  	[tilespmem:s3+$0x8590] =	vst v1  }
0x83: {  	[tilespmem:s3+$0x8200] =	vst v0  }
0x84: {  	[tilespmem:s3+$0x8210] =	vst v1  }
0x85: {  	[tilespmem:s3+$0x8280] =	vst v0  }
0x86: {  	[tilespmem:s3+$0x8290] =	vst v1  }
0x87: {  	[tilespmem:s3+$0x8300] =	vst v0  }
0x88: {  	[tilespmem:s3+$0x8310] =	vst v1  }
0x89: {  	[tilespmem:s3+$0x8380] =	vst v0  }
0x8a: {  	[tilespmem:s3+$0x8390] =	vst v1  }
0x8b: {  	[tilespmem:s3+$0x8400] =	vst v0  }
0x8c: {  	[tilespmem:s3+$0x8410] =	vst v1  }
0x8d: {  	[tilespmem:s3+$0x8480] =	vst v0  }
0x8e: {  	[tilespmem:s3+$0x8490] =	vst v1  }
0x8f: {  	[tilespmem:s3+$0x8500] =	vst v0  }
0x90: {  	[tilespmem:s3+$0x8510] =	vst v1  }
0x91: {  	[tilespmem:s3+$0x8580] =	vst v0;
	s17 =	simm.s32 $0x0  }
0x92: {  	[hbm4b:s9+s17] =	stream.linear.scatter [tilespmem:s20], [sflag:$0x6], $0x4000, $0x38;
	[tilespmem:$0x10280] =	vst v63  }
0x93: {  	_ =	swait.ge [sflag:s30], $0x3000  }
0x94: {  	[sflag:s30] =	ssyncset.done $0x0  }
0x95: {  	s3 =	simm.s32 $0x0;
	s17 =	simm.s32 $0x1000;
	[sflag:s30] =	ssyncadd.s32 $0xFFFFD000  }
.LBB2_8:
0x96: {  	p0 =	sne.s32 s17, $0xB000;
	[tilespmem:s3+$0xC590] =	vst v1  }
0x97: {  	[tilespmem:s3+$0xC200] =	vst v0  }
0x98: {  	[tilespmem:s3+$0xC210] =	vst v1  }
0x99: {  	[tilespmem:s3+$0xC280] =	vst v0  }
0x9a: {  	[tilespmem:s3+$0xC290] =	vst v1  }
0x9b: {  	[tilespmem:s3+$0xC300] =	vst v0  }
0x9c: {  	[tilespmem:s3+$0xC310] =	vst v1  }
0x9d: {  	[tilespmem:s3+$0xC380] =	vst v0  }
0x9e: {  	[tilespmem:s3+$0xC390] =	vst v1  }
0x9f: {  	[tilespmem:s3+$0xC400] =	vst v0  }
0xa0: {  	[tilespmem:s3+$0xC410] =	vst v1  }
.Ltmp3:
0xa1: {  	[tilespmem:s3+$0xC480] =	vst v0;
	(pc) =	sbr.rel @p0 .LBB2_8-.Ltmp3, $4  }
0xa2: {  	[tilespmem:s3+$0xC490] =	vst v1  }
0xa3: {  	[tilespmem:s3+$0xC500] =	vst v0  }
0xa4: {  	[tilespmem:s3+$0xC510] =	vst v1  }
0xa5: {  	[tilespmem:s3+$0xC580] =	vst v0;
	s3 =	sshra.s32 s17, $0x2;
	s17 =	sadd.s32 $0x1000, s17  }
0xa6: {  	[tilespmem:s3+$0xC590] =	vst v1  }
0xa7: {  	[tilespmem:s3+$0xC200] =	vst v0  }
0xa8: {  	[tilespmem:s3+$0xC210] =	vst v1  }
0xa9: {  	[tilespmem:s3+$0xC280] =	vst v0  }
0xaa: {  	[tilespmem:s3+$0xC290] =	vst v1  }
0xab: {  	[tilespmem:s3+$0xC300] =	vst v0  }
0xac: {  	[tilespmem:s3+$0xC310] =	vst v1  }
0xad: {  	[tilespmem:s3+$0xC380] =	vst v0  }
0xae: {  	[tilespmem:s3+$0xC390] =	vst v1  }
0xaf: {  	[tilespmem:s3+$0xC400] =	vst v0  }
0xb0: {  	[tilespmem:s3+$0xC410] =	vst v1  }
0xb1: {  	[tilespmem:s3+$0xC480] =	vst v0  }
0xb2: {  	[tilespmem:s3+$0xC490] =	vst v1  }
0xb3: {  	[tilespmem:s3+$0xC500] =	vst v0  }
0xb4: {  	[tilespmem:s3+$0xC510] =	vst v1  }
0xb5: {  	[tilespmem:s3+$0xC580] =	vst v0  }
0xb6: {  	[hbm4b:s10+s4] =	stream.linear.scatter [tilespmem:s24], [sflag:$0x6], $0x3000, $0x38;
	[tilespmem:$0x10280] =	vst v63  }
0xb7: {  	_ =	swait.ge [sflag:s31], $0x1000  }
0xb8: {  	[sflag:s31] =	ssyncset.done $0x0  }
0xb9: {  	[sflag:s31] =	ssyncadd.s32 $0xFFFFF000  }
0xba: {  	[tilespmem:$0xF200] =	vst v0  }
0xbb: {  	[tilespmem:$0xF210] =	vst v1  }
0xbc: {  	[tilespmem:$0xF280] =	vst v0  }
0xbd: {  	[tilespmem:$0xF290] =	vst v1  }
0xbe: {  	[tilespmem:$0xF300] =	vst v0  }
0xbf: {  	[tilespmem:$0xF310] =	vst v1  }
0xc0: {  	[tilespmem:$0xF380] =	vst v0  }
0xc1: {  	[tilespmem:$0xF390] =	vst v1  }
0xc2: {  	[tilespmem:$0xF400] =	vst v0  }
0xc3: {  	[tilespmem:$0xF410] =	vst v1  }
0xc4: {  	[tilespmem:$0xF480] =	vst v0  }
0xc5: {  	[tilespmem:$0xF490] =	vst v1  }
0xc6: {  	[tilespmem:$0xF500] =	vst v0  }
0xc7: {  	[tilespmem:$0xF510] =	vst v1  }
0xc8: {  	[tilespmem:$0xF580] =	vst v0  }
0xc9: {  	[tilespmem:$0xF590] =	vst v1  }
0xca: {  	[tilespmem:$0xF600] =	vst v0  }
0xcb: {  	[tilespmem:$0xF610] =	vst v1  }
0xcc: {  	[tilespmem:$0xF680] =	vst v0  }
0xcd: {  	[tilespmem:$0xF690] =	vst v1  }
0xce: {  	[tilespmem:$0xF700] =	vst v0  }
0xcf: {  	[tilespmem:$0xF710] =	vst v1  }
0xd0: {  	[tilespmem:$0xF780] =	vst v0  }
0xd1: {  	[tilespmem:$0xF790] =	vst v1  }
0xd2: {  	[tilespmem:$0xF800] =	vst v0  }
0xd3: {  	[tilespmem:$0xF810] =	vst v1  }
0xd4: {  	[tilespmem:$0xF880] =	vst v0  }
0xd5: {  	[tilespmem:$0xF890] =	vst v1  }
0xd6: {  	[tilespmem:$0xF900] =	vst v0  }
0xd7: {  	[tilespmem:$0xF910] =	vst v1  }
0xd8: {  	[tilespmem:$0xF980] =	vst v0  }
0xd9: {  	[tilespmem:$0xF990] =	vst v1  }
0xda: {  	[tilespmem:$0xFA00] =	vst v0  }
0xdb: {  	[tilespmem:$0xFA10] =	vst v1  }
0xdc: {  	[tilespmem:$0xFA80] =	vst v0  }
0xdd: {  	[tilespmem:$0xFA90] =	vst v1  }
0xde: {  	[tilespmem:$0xFB00] =	vst v0  }
0xdf: {  	[tilespmem:$0xFB10] =	vst v1  }
0xe0: {  	[tilespmem:$0xFB80] =	vst v0  }
0xe1: {  	[tilespmem:$0xFB90] =	vst v1  }
0xe2: {  	[tilespmem:$0xFC00] =	vst v0  }
0xe3: {  	[tilespmem:$0xFC10] =	vst v1  }
0xe4: {  	[tilespmem:$0xFC80] =	vst v0  }
0xe5: {  	[tilespmem:$0xFC90] =	vst v1  }
0xe6: {  	[tilespmem:$0xFD00] =	vst v0  }
0xe7: {  	[tilespmem:$0xFD10] =	vst v1  }
0xe8: {  	[tilespmem:$0xFD80] =	vst v0  }
0xe9: {  	[tilespmem:$0xFD90] =	vst v1  }
0xea: {  	[tilespmem:$0xFE00] =	vst v0  }
0xeb: {  	[tilespmem:$0xFE10] =	vst v1  }
0xec: {  	[tilespmem:$0xFE80] =	vst v0  }
0xed: {  	[tilespmem:$0xFE90] =	vst v1  }
0xee: {  	[tilespmem:$0xFF00] =	vst v0  }
0xef: {  	[tilespmem:$0xFF10] =	vst v1  }
0xf0: {  	[tilespmem:$0xFF80] =	vst v0  }
0xf1: {  	[tilespmem:$0xFF90] =	vst v1  }
0xf2: {  	[tilespmem:$0x10000] =	vst v0  }
0xf3: {  	[tilespmem:$0x10010] =	vst v1  }
0xf4: {  	[tilespmem:$0x10080] =	vst v0  }
0xf5: {  	[tilespmem:$0x10090] =	vst v1  }
0xf6: {  	[tilespmem:$0x10100] =	vst v0  }
0xf7: {  	[tilespmem:$0x10110] =	vst v1  }
0xf8: {  	[tilespmem:$0x10180] =	vst v0  }
0xf9: {  	[tilespmem:$0x10190] =	vst v1  }
0xfa: {  	[hbm4b:s11+s4] =	stream.linear.scatter [tilespmem:s29], [sflag:$0x6], $0x1000, $0x38;
	[tilespmem:$0x10280] =	vst v63  }
0xfb: {  	_ =	swait.ge [sflag:s0], $0x4000  }
0xfc: {  	[sflag:s0] =	ssyncset.done $0x0  }
0xfd: {  	[sflag:s0] =	ssyncadd.s32 $0xFFFFC000  }
0xfe: {  	_ =	swait.ge [sflag:s0], $0x4000  }
0xff: {  	[sflag:s0] =	ssyncset.done $0x0  }
0x100: {  	[sflag:s0] =	ssyncadd.s32 $0xFFFFC000  }
0x101: {  	_ =	swait.ge [sflag:s0], $0x4000  }
0x102: {  	[sflag:s0] =	ssyncset.done $0x0  }
0x103: {  	s2 =	sadd.s32 $0x1, s2;
	[sflag:s0] =	ssyncadd.s32 $0xFFFFC000  }
0x104: {  	p0 =	sne.s32 s2, s12;
	_ =	swait.ge [sflag:s0], $0x3000  }
.Ltmp4:
0x105: {  	[sflag:s0] =	ssyncset.done $0x0;
	(pc) =	sbr.rel @p0 .LBB2_1-.Ltmp4, $4  }
0x106: {  	[sflag:s0] =	ssyncadd.s32 $0xFFFFD000  }
0x107: {  	_ =	swait.ge [sflag:s0], $0x1000  }
0x108: {  	[sflag:s0] =	ssyncset.done $0x0  }
0x109: {  	[sflag:s0] =	ssyncadd.s32 $0xFFFFF000  }
0x10a: {  	_ =	sfence.sel $0x180000  }
0x10b: {  	[bflag:$0x0] =	sbarrier.arrive $0xFFFF  }
0x10c: {  	_ =	strace $0x90000047  }
0x10d: {  	s0 =	stileid.u32;
	[bflag:$0x2] =	sbarrier.arrive $0xFFFF  }
0x10e: {  	p0 =	sne.s32 s0, $0x0;
	s0 =	rddreg [dreg:$0x4]  }
0x10f: {  	s0 =	sadd.s32 @!p0 $0x100000, s0  }
0x110: {  	[sflag:s0] =	ssyncadd.tile.s32 @!p0 $0x1;
	_ =	shalt  }
.Lfunc_end2:
_tile_overlayer_lowered:
.L_overlay_start_2:
0x111: {  	(tag) =	ssettag $0x2  }
0x112: {  	s0 =	rddreg [dreg:$0x0];
	s2 =	stileid.u32  }
0x113: {  	s1 =	rddreg [dreg:$0x1];
	p0 =	sne.s32 s2, $0x0  }
0x114: {  	s3 =	rddreg [dreg:$0x2];
	[bflag:$0x3] =	sbarrier.arrive $0xFFFF;
	s2 =	simm.s32 @!p0 $0x1C07  }
0x115: {  	[timem:s3], [sflag:s2] =	dma.local @!p0 [hbm:s0], s1  }
0x116: {  	s0 =	simm.s32 @!p0 $0x7  }
0x117: {  	_ =	swait.ge @!p0 [sflag:s0], s1  }
0x118: {  	s1 =	ssub.s32 @!p0 $0x0, s1;
	[sflag:s0] =	ssyncset.done @!p0 $0x0  }
0x119: {  	[sflag:s0] =	ssyncadd.s32 @!p0 s1  }
0x11a: {  	[bflag:$0x3] =	sbarrier.arrive $0xFFFF  }
0x11b: {  	_ =	shalt  }

</sc_bundles>
